<compile_context>
chip_gen: v7x
topology: tpu7x:2x2x1
jax: 0.10.2.dev20260603
libtpu: 0.0.44.dev20260713+nightly
codegen_flags: <defaults>
</compile_context>

<pallas_src>
import jax
import jax.numpy as jnp
from jax import lax
from jax.experimental import pallas as pl
from jax.experimental.pallas import tpu as pltpu
from jax.experimental.pallas import tpu_sc as plsc

VOCAB_ROWS = 49408
N_CLS = 1024
SEQ_LEN = 77
CTX_DIM = 512
N_CTX = 8

_info = plsc.get_sparse_core_info()
_NC = _info.num_cores
_NS = _info.num_subcores
_NW = _NC * _NS
_B = N_CLS * SEQ_LEN
_RPW = _B // _NW
_CHUNK = 112
_NCHUNK = _RPW // _CHUNK


def _body(idx_hbm, table_hbm, out_hbm, idx_v, rows0, rows1, sem0, sem1):
    wid = lax.axis_index("s") * _NC + lax.axis_index("c")
    base = wid * _RPW

    pltpu.sync_copy(idx_hbm.at[wid], idx_v)

    pltpu.async_copy(table_hbm.at[idx_v.at[0]], rows0, sem0)

    @pl.loop(0, _NCHUNK, step=2)
    def step(j):
        pltpu.async_copy(table_hbm.at[idx_v.at[j + 1]], rows1, sem1)
        pltpu.make_async_copy(table_hbm.at[idx_v.at[j]], rows0, sem0).wait()
        pltpu.sync_copy(rows0, out_hbm.at[pl.ds(base + j * _CHUNK, _CHUNK)])

        @pl.when(j + 2 < _NCHUNK)
        def _():
            pltpu.async_copy(table_hbm.at[idx_v.at[j + 2]], rows0, sem0)

        pltpu.make_async_copy(table_hbm.at[idx_v.at[j + 1]], rows1, sem1).wait()
        pltpu.sync_copy(
            rows1, out_hbm.at[pl.ds(base + (j + 1) * _CHUNK, _CHUNK)])


def kernel(tokens, table, ctx):
    tbl2 = jnp.concatenate([table, ctx], axis=0)
    ctx_ids = jnp.broadcast_to(
        jnp.arange(VOCAB_ROWS, VOCAB_ROWS + N_CTX, dtype=jnp.int32)[None, :],
        (N_CLS, N_CTX))
    idx = jnp.concatenate(
        [tokens[:, :1], ctx_ids, tokens[:, 1 + N_CTX:]], axis=1)
    idx3 = idx.reshape(_NW, _NCHUNK, _CHUNK)
    f = pl.kernel(
        _body,
        out_type=jax.ShapeDtypeStruct((_B, CTX_DIM), jnp.float32),
        mesh=plsc.VectorSubcoreMesh(core_axis_name="c", subcore_axis_name="s"),
        scratch_types=[
            pltpu.VMEM((_NCHUNK, _CHUNK), jnp.int32),
            pltpu.VMEM((_CHUNK, CTX_DIM), jnp.float32),
            pltpu.VMEM((_CHUNK, CTX_DIM), jnp.float32),
            pltpu.SemaphoreType.DMA,
            pltpu.SemaphoreType.DMA,
        ],
    )
    return f(idx3, tbl2).reshape(N_CLS, SEQ_LEN, CTX_DIM)

# --- scband reference (transcript-rebuilt; emitter-appended) ---
"""Pipeline reference for scband-prompt-learner-89962384982699 (READ-ONLY COPY).

The authoritative reference and input builder live on the scoring server;
editing this copy changes nothing except your own understanding.
"""

import jax, jax.numpy as jnp
import numpy as np

VOCAB = 49408
CTX_DIM = 512
N_CTX = 8
SEQ_LEN = 77
N_CLS = 1024

def setup_inputs(seed: int = 0) -> dict:
    key = jax.random.key(seed)
    k1, k2, k3 = jax.random.split(key, 3)
    tokens = jax.random.randint(k1, (N_CLS, SEQ_LEN), 0, VOCAB, dtype=jnp.int64 if jax.config.read('jax_enable_x64') else jnp.int32).astype(jnp.int32)
    table = jax.random.normal(k2, (VOCAB, CTX_DIM), dtype=jnp.float32) * 0.02
    ctx = jax.random.normal(k3, (N_CTX, CTX_DIM), dtype=jnp.float32) * 0.02
    return {"tokens": tokens, "table": table, "ctx": ctx}

def reference(tokens, table, ctx):
    # token_embedding(tokenized_prompts): gather rows of the vocab table
    embedding = jnp.take(table, tokens, axis=0)  # [n_cls, seq_len, ctx_dim]
    # original wraps the embedding lookup in torch.no_grad()
    embedding = jax.lax.stop_gradient(embedding)
    n_cls = tokens.shape[0]
    n_ctx = ctx.shape[0]
    # ctx.dim() == 2 -> unsqueeze(0).expand(n_cls, -1, -1)
    ctx_exp = jnp.broadcast_to(ctx[None, :, :], (n_cls, n_ctx, ctx.shape[1]))
    prefix = embedding[:, :1, :]            # SOS token
    suffix = embedding[:, 1 + n_ctx:, :]    # class tokens + EOS + padding
    # class_token_position == 'end'
    prompts = jnp.concatenate([prefix, ctx_exp, suffix], axis=1)  # [n_cls, seq_len, ctx_dim]
    return prompts

if __name__ == "__main__":
    import jax
    _d = setup_inputs()
    print(jax.jit(kernel)(*tuple(_d.values())))

</pallas_src>

<mosaic_0001>
#map = affine_map<(d0, d1) -> (0, 0, 0)>
#map1 = affine_map<(d0, d1) -> (0, 0)>
module attributes {stable_mosaic.version = 14 : i64} {
  func.func @_body(%arg0: i32, %arg1: i32, %arg2: memref<32x22x112xi32, #tpu.memory_space<hbm>>, %arg3: memref<49416x512xf32, #tpu.memory_space<hbm>>, %arg4: memref<78848x512xf32, #tpu.memory_space<hbm>>, %arg5: memref<22x112xi32, #tpu.memory_space<vmem>>, %arg6: memref<112x512xf32, #tpu.memory_space<vmem>>, %arg7: memref<112x512xf32, #tpu.memory_space<vmem>>, %arg8: memref<!tpu.dma_semaphore, #tpu.memory_space<semaphore_mem>>, %arg9: memref<!tpu.dma_semaphore, #tpu.memory_space<semaphore_mem>>) attributes {dimension_semantics = [#tpu.dimension_semantics<core_parallel>, #tpu.dimension_semantics<subcore_parallel>], iteration_bounds = array<i64: 2, 16>, scalar_prefetch = 0 : i64, scratch_operands = 5 : i64, tpu.core_type = #tpu.core_type<sc_vector_subcore>, window_params = [{transform_indices = #map}, {transform_indices = #map1}, {transform_indices = #map1}]} {
    %mul3A = arith.constant 2 : i32
    %mul3A_0 = arith.muli %arg1, %mul3A : i32
    %add3A = arith.addi %mul3A_0, %arg0 : i32
    %mul3A_1 = arith.constant 2464 : i32
    %mul3A_2 = arith.muli %add3A, %mul3A_1 : i32
    "tpu.region"() ({
      %run_scoped3A = tpu.sem_alloc : memref<!tpu.dma_semaphore, #tpu.memory_space<semaphore_mem>>
      %dma_start3A_13 = arith.constant 0 : i32
      %dma_start3A_14 = arith.constant 0 : i32
      %dma_start3A_15 = tpu.memref_slice %arg2[%add3A, %dma_start3A_13, %dma_start3A_14] : memref<32x22x112xi32, #tpu.memory_space<hbm>> -> memref<1x22x112xi32, #tpu.memory_space<hbm>>
      %dma_start3A_16 = tpu.memref_squeeze %dma_start3A_15 : memref<1x22x112xi32, #tpu.memory_space<hbm>> -> memref<22x112xi32, #tpu.memory_space<hbm>>
      %dma_start3A_17 = arith.constant 0 : i32
      %dma_start3A_18 = arith.constant 0 : i32
      %dma_start3A_19 = tpu.memref_slice %arg2[%add3A, %dma_start3A_17, %dma_start3A_18] : memref<32x22x112xi32, #tpu.memory_space<hbm>> -> memref<1x22x112xi32, #tpu.memory_space<hbm>>
      %dma_start3A_20 = tpu.memref_squeeze %dma_start3A_19 : memref<1x22x112xi32, #tpu.memory_space<hbm>> -> memref<22x112xi32, #tpu.memory_space<hbm>>
      tpu.enqueue_dma source(%dma_start3A_20 : memref<22x112xi32, #tpu.memory_space<hbm>>) target(%arg5 : memref<22x112xi32, #tpu.memory_space<vmem>>) target_semaphore(%run_scoped3A : memref<!tpu.dma_semaphore, #tpu.memory_space<semaphore_mem>>)
      %dma_wait3A = arith.constant 0 : i32
      %dma_wait3A_21 = arith.constant 0 : i32
      %dma_wait3A_22 = tpu.memref_slice %arg2[%add3A, %dma_wait3A, %dma_wait3A_21] : memref<32x22x112xi32, #tpu.memory_space<hbm>> -> memref<1x22x112xi32, #tpu.memory_space<hbm>>
      %dma_wait3A_23 = tpu.memref_squeeze %dma_wait3A_22 : memref<1x22x112xi32, #tpu.memory_space<hbm>> -> memref<22x112xi32, #tpu.memory_space<hbm>>
      %dma_wait3A_24 = arith.constant 0 : i32
      %dma_wait3A_25 = arith.constant 0 : i32
      %dma_wait3A_26 = tpu.memref_slice %arg2[%add3A, %dma_wait3A_24, %dma_wait3A_25] : memref<32x22x112xi32, #tpu.memory_space<hbm>> -> memref<1x22x112xi32, #tpu.memory_space<hbm>>
      %dma_wait3A_27 = tpu.memref_squeeze %dma_wait3A_26 : memref<1x22x112xi32, #tpu.memory_space<hbm>> -> memref<22x112xi32, #tpu.memory_space<hbm>>
      tpu.wait_dma2 semaphore(%run_scoped3A : memref<!tpu.dma_semaphore, #tpu.memory_space<semaphore_mem>>) src(%dma_wait3A_27 : memref<22x112xi32, #tpu.memory_space<hbm>>) dst(%arg5 : memref<22x112xi32, #tpu.memory_space<vmem>>)
      tpu.yield
    }) : () -> ()
    %dma_start3A = arith.constant 0 : i32
    %dma_start3A_3 = arith.constant 0 : i32
    %dma_start3A_4 = tpu.memref_slice %arg5[%dma_start3A, %dma_start3A_3] : memref<22x112xi32, #tpu.memory_space<vmem>> -> memref<1x112xi32, #tpu.memory_space<vmem>>
    %dma_start3A_5 = tpu.memref_squeeze %dma_start3A_4 : memref<1x112xi32, #tpu.memory_space<vmem>> -> memref<112xi32, #tpu.memory_space<vmem>>
    %dma_start3A_6 = arith.constant 0 : i32
    %dma_start3A_7 = arith.constant 0 : i32
    %dma_start3A_8 = tpu.memref_slice %arg3[%dma_start3A_6, %dma_start3A_7] : memref<49416x512xf32, #tpu.memory_space<hbm>> -> memref<49416x512xf32, #tpu.memory_space<hbm>>
    tpu.enqueue_indirect_dma source(%dma_start3A_8 : memref<49416x512xf32, #tpu.memory_space<hbm>>) target(%arg6 : memref<112x512xf32, #tpu.memory_space<vmem>>) offsets(%dma_start3A_5 : memref<112xi32, #tpu.memory_space<vmem>>) semaphore(%arg8 : memref<!tpu.dma_semaphore, #tpu.memory_space<semaphore_mem>>)
    %scan3A = arith.constant 0 : i32
    %scan3A_9 = arith.constant 11 : i32
    %scan3A_10 = arith.addi %scan3A, %scan3A_9 : i32
    %scan3A_11 = arith.constant 1 : i32
    scf.for %scan3A_13 = %scan3A to %scan3A_10 step %scan3A_11  : i32 {
      %mul3A_14 = arith.constant 2 : i32
      %mul3A_15 = arith.muli %scan3A_13, %mul3A_14 : i32
      %add3A_16 = arith.constant 0 : i32
      %add3A_17 = arith.addi %add3A_16, %mul3A_15 : i32
      %add3A_18 = arith.constant 1 : i32
      %add3A_19 = arith.addi %add3A_17, %add3A_18 : i32
      %dma_start3A_20 = arith.constant 0 : i32
      %dma_start3A_21 = tpu.memref_slice %arg5[%add3A_19, %dma_start3A_20] : memref<22x112xi32, #tpu.memory_space<vmem>> -> memref<1x112xi32, #tpu.memory_space<vmem>>
      %dma_start3A_22 = tpu.memref_squeeze %dma_start3A_21 : memref<1x112xi32, #tpu.memory_space<vmem>> -> memref<112xi32, #tpu.memory_space<vmem>>
      %dma_start3A_23 = arith.constant 0 : i32
      %dma_start3A_24 = arith.constant 0 : i32
      %dma_start3A_25 = tpu.memref_slice %arg3[%dma_start3A_23, %dma_start3A_24] : memref<49416x512xf32, #tpu.memory_space<hbm>> -> memref<49416x512xf32, #tpu.memory_space<hbm>>
      tpu.enqueue_indirect_dma source(%dma_start3A_25 : memref<49416x512xf32, #tpu.memory_space<hbm>>) target(%arg7 : memref<112x512xf32, #tpu.memory_space<vmem>>) offsets(%dma_start3A_22 : memref<112xi32, #tpu.memory_space<vmem>>) semaphore(%arg9 : memref<!tpu.dma_semaphore, #tpu.memory_space<semaphore_mem>>)
      %dma_wait3A = arith.constant 0 : i32
      %dma_wait3A_26 = tpu.memref_slice %arg5[%add3A_17, %dma_wait3A] : memref<22x112xi32, #tpu.memory_space<vmem>> -> memref<1x112xi32, #tpu.memory_space<vmem>>
      %dma_wait3A_27 = tpu.memref_squeeze %dma_wait3A_26 : memref<1x112xi32, #tpu.memory_space<vmem>> -> memref<112xi32, #tpu.memory_space<vmem>>
      %dma_wait3A_28 = arith.constant 0 : i32
      %dma_wait3A_29 = arith.constant 0 : i32
      %dma_wait3A_30 = tpu.memref_slice %arg3[%dma_wait3A_28, %dma_wait3A_29] : memref<49416x512xf32, #tpu.memory_space<hbm>> -> memref<49416x512xf32, #tpu.memory_space<hbm>>
      tpu.wait_indirect_dma semaphore(%arg8 : memref<!tpu.dma_semaphore, #tpu.memory_space<semaphore_mem>>) src(%dma_wait3A_30 : memref<49416x512xf32, #tpu.memory_space<hbm>>) dst(%arg6 : memref<112x512xf32, #tpu.memory_space<vmem>>)
      %mul3A_31 = arith.constant 112 : i32
      %mul3A_32 = arith.muli %add3A_17, %mul3A_31 : i32
      %add3A_33 = arith.addi %mul3A_2, %mul3A_32 : i32
      "tpu.region"() ({
        %run_scoped3A = tpu.sem_alloc : memref<!tpu.dma_semaphore, #tpu.memory_space<semaphore_mem>>
        %dma_start3A_51 = arith.constant 0 : i32
        %dma_start3A_52 = tpu.memref_slice %arg4[%add3A_33, %dma_start3A_51] : memref<78848x512xf32, #tpu.memory_space<hbm>> -> memref<112x512xf32, #tpu.memory_space<hbm>>
        %dma_start3A_53 = arith.constant 0 : i32
        %dma_start3A_54 = tpu.memref_slice %arg4[%add3A_33, %dma_start3A_53] : memref<78848x512xf32, #tpu.memory_space<hbm>> -> memref<112x512xf32, #tpu.memory_space<hbm>>
        tpu.enqueue_dma source(%arg6 : memref<112x512xf32, #tpu.memory_space<vmem>>) target(%dma_start3A_54 : memref<112x512xf32, #tpu.memory_space<hbm>>) target_semaphore(%run_scoped3A : memref<!tpu.dma_semaphore, #tpu.memory_space<semaphore_mem>>)
        %dma_wait3A_55 = arith.constant 0 : i32
        %dma_wait3A_56 = tpu.memref_slice %arg4[%add3A_33, %dma_wait3A_55] : memref<78848x512xf32, #tpu.memory_space<hbm>> -> memref<112x512xf32, #tpu.memory_space<hbm>>
        %dma_wait3A_57 = arith.constant 0 : i32
        %dma_wait3A_58 = tpu.memref_slice %arg4[%add3A_33, %dma_wait3A_57] : memref<78848x512xf32, #tpu.memory_space<hbm>> -> memref<112x512xf32, #tpu.memory_space<hbm>>
        tpu.wait_dma2 semaphore(%run_scoped3A : memref<!tpu.dma_semaphore, #tpu.memory_space<semaphore_mem>>) src(%arg6 : memref<112x512xf32, #tpu.memory_space<vmem>>) dst(%dma_wait3A_58 : memref<112x512xf32, #tpu.memory_space<hbm>>)
        tpu.yield
      }) : () -> ()
      %add3A_34 = arith.constant 2 : i32
      %add3A_35 = arith.addi %add3A_17, %add3A_34 : i32
      %lt3A = arith.constant 22 : i32
      %lt3A_36 = arith.cmpi slt, %add3A_35, %lt3A : i32
      %convert_element_type3A = arith.extui %lt3A_36 : i1 to i32
      %cond3A = arith.constant 0 : i32
      %cond3A_37 = arith.cmpi ne, %convert_element_type3A, %cond3A : i32
      scf.if %cond3A_37 {
        %add3A_51 = arith.constant 2 : i32
        %add3A_52 = arith.addi %add3A_17, %add3A_51 : i32
        %dma_start3A_53 = arith.constant 0 : i32
        %dma_start3A_54 = tpu.memref_slice %arg5[%add3A_52, %dma_start3A_53] : memref<22x112xi32, #tpu.memory_space<vmem>> -> memref<1x112xi32, #tpu.memory_space<vmem>>
        %dma_start3A_55 = tpu.memref_squeeze %dma_start3A_54 : memref<1x112xi32, #tpu.memory_space<vmem>> -> memref<112xi32, #tpu.memory_space<vmem>>
        %dma_start3A_56 = arith.constant 0 : i32
        %dma_start3A_57 = arith.constant 0 : i32
        %dma_start3A_58 = tpu.memref_slice %arg3[%dma_start3A_56, %dma_start3A_57] : memref<49416x512xf32, #tpu.memory_space<hbm>> -> memref<49416x512xf32, #tpu.memory_space<hbm>>
        tpu.enqueue_indirect_dma source(%dma_start3A_58 : memref<49416x512xf32, #tpu.memory_space<hbm>>) target(%arg6 : memref<112x512xf32, #tpu.memory_space<vmem>>) offsets(%dma_start3A_55 : memref<112xi32, #tpu.memory_space<vmem>>) semaphore(%arg8 : memref<!tpu.dma_semaphore, #tpu.memory_space<semaphore_mem>>)
      } else {
      }
      %add3A_38 = arith.constant 1 : i32
      %add3A_39 = arith.addi %add3A_17, %add3A_38 : i32
      %dma_wait3A_40 = arith.constant 0 : i32
      %dma_wait3A_41 = tpu.memref_slice %arg5[%add3A_39, %dma_wait3A_40] : memref<22x112xi32, #tpu.memory_space<vmem>> -> memref<1x112xi32, #tpu.memory_space<vmem>>
      %dma_wait3A_42 = tpu.memref_squeeze %dma_wait3A_41 : memref<1x112xi32, #tpu.memory_space<vmem>> -> memref<112xi32, #tpu.memory_space<vmem>>
      %dma_wait3A_43 = arith.constant 0 : i32
      %dma_wait3A_44 = arith.constant 0 : i32
      %dma_wait3A_45 = tpu.memref_slice %arg3[%dma_wait3A_43, %dma_wait3A_44] : memref<49416x512xf32, #tpu.memory_space<hbm>> -> memref<49416x512xf32, #tpu.memory_space<hbm>>
      tpu.wait_indirect_dma semaphore(%arg9 : memref<!tpu.dma_semaphore, #tpu.memory_space<semaphore_mem>>) src(%dma_wait3A_45 : memref<49416x512xf32, #tpu.memory_space<hbm>>) dst(%arg7 : memref<112x512xf32, #tpu.memory_space<vmem>>)
      %add3A_46 = arith.constant 1 : i32
      %add3A_47 = arith.addi %add3A_17, %add3A_46 : i32
      %mul3A_48 = arith.constant 112 : i32
      %mul3A_49 = arith.muli %add3A_47, %mul3A_48 : i32
      %add3A_50 = arith.addi %mul3A_2, %mul3A_49 : i32
      "tpu.region"() ({
        %run_scoped3A = tpu.sem_alloc : memref<!tpu.dma_semaphore, #tpu.memory_space<semaphore_mem>>
        %dma_start3A_51 = arith.constant 0 : i32
        %dma_start3A_52 = tpu.memref_slice %arg4[%add3A_50, %dma_start3A_51] : memref<78848x512xf32, #tpu.memory_space<hbm>> -> memref<112x512xf32, #tpu.memory_space<hbm>>
        %dma_start3A_53 = arith.constant 0 : i32
        %dma_start3A_54 = tpu.memref_slice %arg4[%add3A_50, %dma_start3A_53] : memref<78848x512xf32, #tpu.memory_space<hbm>> -> memref<112x512xf32, #tpu.memory_space<hbm>>
        tpu.enqueue_dma source(%arg7 : memref<112x512xf32, #tpu.memory_space<vmem>>) target(%dma_start3A_54 : memref<112x512xf32, #tpu.memory_space<hbm>>) target_semaphore(%run_scoped3A : memref<!tpu.dma_semaphore, #tpu.memory_space<semaphore_mem>>)
        %dma_wait3A_55 = arith.constant 0 : i32
        %dma_wait3A_56 = tpu.memref_slice %arg4[%add3A_50, %dma_wait3A_55] : memref<78848x512xf32, #tpu.memory_space<hbm>> -> memref<112x512xf32, #tpu.memory_space<hbm>>
        %dma_wait3A_57 = arith.constant 0 : i32
        %dma_wait3A_58 = tpu.memref_slice %arg4[%add3A_50, %dma_wait3A_57] : memref<78848x512xf32, #tpu.memory_space<hbm>> -> memref<112x512xf32, #tpu.memory_space<hbm>>
        tpu.wait_dma2 semaphore(%run_scoped3A : memref<!tpu.dma_semaphore, #tpu.memory_space<semaphore_mem>>) src(%arg7 : memref<112x512xf32, #tpu.memory_space<vmem>>) dst(%dma_wait3A_58 : memref<112x512xf32, #tpu.memory_space<hbm>>)
        tpu.yield
      }) : () -> ()
    }
    %scan3A_12 = arith.constant 11 : i32
    return
  }
}

</mosaic_0001>

<sc_bundles>
// kernel: kernel.3.cloned.1.call-start
scs
__scs_entry_jumppad:
0x0: {  	(pc) =	sbr.rel $0x88, $3  }
0x1: {  	(tag) =	ssettag $0x0;
	lr =	simm.s32 $0x1  }
0x2: {  	[smem:$0x3F9E] =	sst lr;
	_ =	strace $0xD0000000  }
0x3: {  	_ = 	snop  }
0x4: {  	_ = 	snop  }
0x5: {  	_ = 	snop  }
0x6: {  	_ = 	snop  }
0x7: {  	_ = 	snop  }
__scs_overlays_trampoline_lowered:
0x8: {  	[smem:$0x3FAD] =	sst s0  }
0x9: {  	[smem:$0x3FAE] =	sst s1  }
0xa: {  	[smem:$0x3FAF] =	sst s2  }
0xb: {  	[smem:$0x3FB0] =	sst s3  }
0xc: {  	[smem:$0x3FB1] =	sst s4  }
0xd: {  	[smem:$0x3FB2] =	sst s5  }
0xe: {  	[smem:$0x3FB3] =	sst s6  }
0xf: {  	[smem:$0x3FB4] =	sst s7  }
0x10: {  	[smem:$0x3FB5] =	sst s8  }
0x11: {  	[smem:$0x3FB6] =	sst s9;
	s0 =	simm.s32 @!p0 $0x0  }
0x12: {  	s1 =	sld [smem:$0x3F9C];
	s0 =	simm.s32 @p0 $0x1  }
0x13: {  	[smem:$0x3FB7] =	sst s0;
	s0 =	simm.s32 @!p1 $0x0  }
0x14: {  	s2 =	sld [smem:$0x3F9B];
	s0 =	simm.s32 @p1 $0x1  }
0x15: {  	[smem:$0x3FB8] =	sst s0;
	s0 =	simm.s32 @!p2 $0x0  }
0x16: {  	s3 =	sld [smem:$0x3FDB];
	s0 =	simm.s32 @p2 $0x1  }
0x17: {  	s4 =	simm.s32 $0x1BF5;
	[smem:$0x3FBA] =	sst s0  }
0x18: {  	s0 =	sld [smem:$0x3F9D];
	_ =	swait.ge [sflag:s4], $0x0  }
0x19: {  	s7 =	sld [smem:$0x3F9E]  }
0x1a: {  	s8 =	sadd.s32 $0xFFFFE003, lr  }
0x1b: {  	s9 =	sadd.s32 $0xFFFFFEF7, lr;
	s5 =	simm.s32 $0xFFFFFFFF;
	p2 =	slt.u32 s8, $0xFFFFF086  }
0x1c: {  	p1 =	slt.u32 s9, $0xF7A;
	s5 =	simm.s32 @!p2 $0x0  }
0x1d: {  	s5 =	simm.s32 @p1 $0x1;
	p0 =	seq.s32 s7, s2  }
0x1e: {  	s7 =	smul.u32 @!p0 $0xF7A, s2;
	p2 =	seq.s32 @!p0 s5, $0x0  }
0x1f: {  	s9 =	smul.u32 $0xF7A, s1;
	s8 =	simm.s32 @!p0 $0x1BF5;
	p2 =	por !p2, p0  }
0x20: {  	[sflag:s8] =	ssyncset.s32 @!p0 $0xFFFFF086;
	s6 =	sadd.s32 @!p0 s3, s7;
	s7 =	simm.s32 @!p0 $0x108  }
0x21: {  	s3 =	sadd.s32 s3, s9;
	s6 =	sadd.s32 @!p0 $0x88, s6;
	s7 =	simm.s32 @p2 $0x1082  }
0x22: {  	[simem:s7], [sflag:s8] =	dma.local @!p0 [hbm:s6], $0xF7A  }
0x23: {  	s9 =	sor.u32 $0xD0000000, s2;
	s6 =	simm.s32 $0x108;
	_ =	swait.ge @!p0 [sflag:s8], $0x0  }
0x24: {  	s3 =	sadd.s32 $0x88, s3;
	s6 =	simm.s32 @!p1 $0x1082;
	[sflag:s4] =	ssyncset.s32 $0xFFFFF086  }
0x25: {  	[simem:s6], [sflag:s4] =	dma.local [hbm:s3], $0xF7A  }
0x26: {  	[smem:$0x3F9E] =	sst s1;
	(tag) =	ssettag s2;
	_ =	strace s9  }
0x27: {  	s1 =	sld [smem:$0x3FAE]  }
0x28: {  	s2 =	sld [smem:$0x3FAF]  }
0x29: {  	s4 =	sld [smem:$0x3FB1]  }
0x2a: {  	p0 =	seq.s32 s5, $0x0;
	s5 =	sld [smem:$0x3FB2]  }
0x2b: {  	s6 =	sld [smem:$0x3FB3]  }
0x2c: {  	s7 =	sld [smem:$0x3FB4]  }
0x2d: {  	s3 =	simm.s32 $0x108;
	s8 =	sld [smem:$0x3FB5]  }
0x2e: {  	s3 =	simm.s32 @!p0 $0x1082;
	s9 =	sld [smem:$0x3FB6]  }
0x2f: {  	lr =	sadd.s32 s0, s3;
	s0 =	sld [smem:$0x3FAD]  }
0x30: {  	s3 =	sld [smem:$0x3FB0]  }
0x31: {  	[smem:$0x3FB9] =	sst s10  }
0x32: {  	s10 =	sld [smem:$0x3FB7];
	_ =	sdelay $0x3  }
0x33: {  	p0 =	seq.s32 s10, $0x1;
	s10 =	sld [smem:$0x3FB9];
	_ =	sdelay $0x3  }
0x34: {  	[smem:$0x3FB9] =	sst s10  }
0x35: {  	s10 =	sld [smem:$0x3FB8];
	_ =	sdelay $0x3  }
0x36: {  	p1 =	seq.s32 s10, $0x1;
	s10 =	sld [smem:$0x3FB9];
	_ =	sdelay $0x3  }
0x37: {  	[smem:$0x3FB9] =	sst s10  }
0x38: {  	s10 =	sld [smem:$0x3FBA]  }
0x39: {  	_ = 	snop;
	(pc) =	sbr.ind lr, $3  }
0x3a: {  	_ = 	snop  }
0x3b: {  	_ = 	snop  }
0x3c: {  	p2 =	seq.s32 s10, $0x1;
	s10 =	sld [smem:$0x3FB9]  }
0x3d: {  	_ =	shalt  }
0x3e: {  	_ =	shalt  }
0x3f: {  	_ =	shalt  }
0x40: {  	_ =	shalt  }
0x41: {  	_ =	shalt  }
0x42: {  	_ =	shalt  }
0x43: {  	_ =	shalt  }
0x44: {  	_ =	shalt  }
0x45: {  	_ =	shalt  }
0x46: {  	_ =	shalt  }
0x47: {  	_ =	shalt  }
0x48: {  	_ =	shalt  }
0x49: {  	_ =	shalt  }
0x4a: {  	_ =	shalt  }
0x4b: {  	_ =	shalt  }
0x4c: {  	_ =	shalt  }
0x4d: {  	_ =	shalt  }
0x4e: {  	_ =	shalt  }
0x4f: {  	_ =	shalt  }
0x50: {  	_ =	shalt  }
0x51: {  	_ =	shalt  }
0x52: {  	_ =	shalt  }
0x53: {  	_ =	shalt  }
0x54: {  	_ =	shalt  }
0x55: {  	_ =	shalt  }
0x56: {  	_ =	shalt  }
0x57: {  	_ =	shalt  }
0x58: {  	_ =	shalt  }
0x59: {  	_ =	shalt  }
0x5a: {  	_ =	shalt  }
0x5b: {  	_ =	shalt  }
0x5c: {  	_ =	shalt  }
0x5d: {  	_ =	shalt  }
0x5e: {  	_ =	shalt  }
0x5f: {  	_ =	shalt  }
0x60: {  	_ =	shalt  }
0x61: {  	_ =	shalt  }
0x62: {  	_ =	shalt  }
0x63: {  	_ =	shalt  }
0x64: {  	_ =	shalt  }
0x65: {  	_ =	shalt  }
0x66: {  	_ =	shalt  }
0x67: {  	_ =	shalt  }
0x68: {  	_ =	shalt  }
0x69: {  	_ =	shalt  }
0x6a: {  	_ =	shalt  }
0x6b: {  	_ =	shalt  }
0x6c: {  	_ =	shalt  }
0x6d: {  	_ =	shalt  }
0x6e: {  	_ =	shalt  }
0x6f: {  	_ =	shalt  }
0x70: {  	_ =	shalt  }
0x71: {  	_ =	shalt  }
0x72: {  	_ =	shalt  }
0x73: {  	_ =	shalt  }
0x74: {  	_ =	shalt  }
0x75: {  	_ =	shalt  }
0x76: {  	_ =	shalt  }
0x77: {  	_ =	shalt  }
0x78: {  	_ =	shalt  }
0x79: {  	_ =	shalt  }
0x7a: {  	_ =	shalt  }
0x7b: {  	_ =	shalt  }
0x7c: {  	_ =	shalt  }
0x7d: {  	_ =	shalt  }
0x7e: {  	_ =	shalt  }
0x7f: {  	_ =	shalt  }
0x80: {  	_ =	shalt  }
0x81: {  	_ =	shalt  }
0x82: {  	_ =	shalt  }
0x83: {  	_ =	shalt  }
0x84: {  	_ =	shalt  }
0x85: {  	_ =	shalt  }
0x86: {  	_ =	shalt  }
0x87: {  	_ =	shalt  }
.Lfunc_end0:
.L_simem_size_0:
called_computation.1_lowered:
.L_overlay_start_0:
0x88: {  	s2 =	sld [smem:$0x3FD9]  }
0x89: {  	s3 =	sld [smem:$0x3FFE];
	_ =	sdelay $0x1  }
0x8a: {  	s1 =	srdreg.scid  }
0x8b: {  	s0 =	sand.u32 $0x1, s1  }
0x8c: {  	s17 =	sshll.u32 s0, $0xA;
	s2 =	sadd.s32 s3, s2  }
0x8d: {  	s2 =	sadd.s32 s2, s17  }
0x8e: {  	[smem:$0x3FC5] =	sst s2  }
0x8f: {  	_ = 	snop  }
0x90: {  	s2 =	sld [smem:$0x3FD0];
	(tm) =	ssettm $0x1  }
0x91: {  	s18 =	sld [smem:$0x3FFB];
	_ =	sdelay $0x3  }
0x92: {  	_ =	strace s18  }
0x93: {  	s3 =	sld [smem:$0x3FFC];
	_ =	sdelay $0x3  }
0x94: {  	_ =	strace s3  }
0x95: {  	s3 =	sld [smem:$0x3FFD];
	_ =	sdelay $0x3  }
0x96: {  	_ =	strace s3  }
0x97: {  	_ =	strace $0x8FFFFFFF  }
0x98: {  	s19 =	sld [smem:$0x3FDB];
	_ =	sdelay $0x1  }
0x99: {  	s4 =	simm.s32 $_scs_section_size  }
0x9a: {  	s5 =	simm.s32 $_size__tile_overlayer_lowered;
	s6 =	simm.s32 $_tile_overlayer_lowered  }
0x9b: {  	s22 =	simm.s32 $0x1BFF;
	s21 =	sshll.u32 s6, $0x1;
	s3 =	sadd.s32 s4, s19  }
0x9c: {  	s7 =	simm.s32 $0x0;
	s20 =	sshll.u32 s5, $0x1;
	s5 =	sadd.s32 s21, s3  }
0x9d: {  	[timem:s7], [sflag:s22] =	dma.local [hbm:s5], s20  }
0x9e: {  	_ =	swait.ge [sflag:s22], s20  }
0x9f: {  	s4 =	ssub.s32 $0x0, s20;
	[sflag:s22] =	ssyncset.done $0x0  }
0xa0: {  	[sflag:s22] =	ssyncadd.s32 s4;
	_ =	sdelay $0x1  }
0xa1: {  	s23 =	simm.s32 $0x1B8B  }
0xa2: {  	_ =	swait.ge [sflag:s23], $0x1  }
0xa3: {  	[sflag:s23] =	ssyncset.done $0x0  }
0xa4: {  	s25 =	simm.s32 $0x1B8E;
	s24 =	sld [smem:$0x3FFE];
	[sflag:s23] =	ssyncadd.s32 $0xFFFFFFFF  }
0xa5: {  	s26 =	simm.s32 $execute0_lowered;
	[smem:$0x3FD2] =	sst s25  }
0xa6: {  	s5 =	sshll.u32 s26, $0x1;
	_ =	strace $0x80000046;
	[dreg:$0x1] =	wrdreg $0xFFFFFFFF  }
0xa7: {  	s28 =	simm.s32 $_size_execute0_lowered;
	s3 =	sadd.s32 s3, s5;
	[dreg:$0x0] =	wrdreg $0x0  }
0xa8: {  	s5 =	sshll.u32 s28, $0x1;
	[dreg:$0x2] =	wrdreg s3  }
0xa9: {  	[dreg:$0x3] =	wrdreg s5  }
0xaa: {  	[dreg:$0x4] =	wrdreg $0xC0  }
0xab: {  	_ =	task [dreg:s7], $0x5FFFF  }
0xac: {  	[dreg:$0x1] =	wrdreg $0xFFFFFFFF  }
0xad: {  	[dreg:$0x0] =	wrdreg $0x60  }
0xae: {  	[dreg:$0x2] =	wrdreg s24  }
0xaf: {  	[dreg:$0x3] =	wrdreg s2  }
0xb0: {  	[dreg:$0x4] =	wrdreg $0x9  }
0xb1: {  	_ =	task.clear_ibuf [dreg:s7], $0x5FFFF;
	_ =	strace $0x90000046  }
0xb2: {  	s29 =	simm.s32 $0x9;
	_ =	strace $0x80000048  }
0xb3: {  	_ =	swait.ge [sflag:s29], $0x1  }
0xb4: {  	[sflag:s29] =	ssyncadd.s32 $0xFFFFFFFF  }
0xb5: {  	_ =	strace $0x90000048  }
0xb6: {  	_ =	sfence  }
0xb7: {  	s30 =	sld [smem:$0x0];
	_ =	sdelay $0x2  }
0xb8: {  	s31 =	sshll.u32 s1, $0xD;
	s1 =	sshrl.u32 s1, $0x2  }
0xb9: {  	s3 =	sand.u32 $0x4000, s31;
	s1 =	sadd.s32 s1, s30  }
0xba: {  	s0 =	sor.u32 s3, s0;
	s1 =	sshll.u32 s1, $0x11  }
0xbb: {  	s0 =	sor.u32 s1, s0  }
0xbc: {  	s0 =	sadd.s32 $0x8F2B, s0  }
0xbd: {  	[sflag:s0] =	ssyncadd.remote.s32 $0x1  }
0xbe: {  	_ =	sfence.sel $0xFFFF  }
0xbf: {  	[dreg:$0x0] =	wrdreg $0xFFFFFFFF;
	(pc) =	sbr.abs _section_cstart, $3  }
0xc0: {  	[dreg:$0x1] =	wrdreg $0xFFFFFFFF  }
0xc1: {  	_ =	task.clear_ibuf [dreg:s7], $0x2FFFF;
	_ =	strace $0x9FFFFFFF  }
0xc2: {  	(tm) =	ssettm $0x7FFFFFFF  }
0xc3: {  	_ =	shalt  }
tec
execute0_lowered:
.L_overlay_start_1:
0x0: {  	(tag) =	ssettag $0x1  }
0x1: {  	s0 =	rddreg [dreg:$0x0]  }
0x2: {  	s1 =	srdreg.scid;
	s7 =	stileid.u32  }
0x3: {  	s4 =	rddreg [dreg:$0x1];
	s2 =	simm.s32 $0x0;
	s9 =	simm.s32 $0xC00  }
0x4: {  	s12 =	simm.s32 $0xEC00;
	s21 =	simm.s32 $0xF400;
	s22 =	simm.s32 $0x13C00  }
0x5: {  	s23 =	simm.s32 $0x14400;
	s24 =	simm.s32 $0x14C00;
	s25 =	simm.s32 $0x15400  }
0x6: {  	s28 =	simm.s32 $0x16400;
	s29 =	simm.s32 $0x16C00;
	s30 =	simm.s32 $0x17400  }
0x7: {  	s31 =	simm.s32 $0x17C00;
	s10 =	simm.s32 $0x1A400;
	s11 =	simm.s32 $0x1AC00  }
0x8: {  	s13 =	simm.s32 $0x1B400;
	s14 =	simm.s32 $0x1BC00;
	s15 =	simm.s32 $0x1C400  }
0x9: {  	s16 =	simm.s32 $0x1;
	s17 =	simm.s32 $0x2;
	s19 =	simm.s32 $0x0  }
0xa: {  	s1 =	sand.u32 $0x1, s1;
	s3 =	sshll.u32 s7, $0x1;
	[smem:$0x7FF] =	sst s2  }
0xb: {  	s7 =	smul.u32 $0x4D000, s7;
	s3 =	sor.u32 s1, s3;
	s6 =	ssub.s32 $0x2, s1  }
0xc: {  	_ =	strace $0x80000047;
	s1 =	smul.u32 $0x26800, s1;
	s8 =	sshrl.u32 s6, $0x1  }
0xd: {  	s3 =	smul.u32 $0x180, s3;
	s4 =	sadd.s32 s7, s4;
	s6 =	ssub.s32 s6, s8  }
.Ltmp0:
0xe: {  	s7 =	sadd.s32 s1, s4;
	s8 =	simm.s32 $0x3;
	(pc) =	sbr.rel .LBB2_1-.Ltmp0, $4  }
0xf: {  	s1 =	simm.s32 $0x18400;
	s4 =	simm.s32 $0x19400;
	s5 =	sadd.s32 s3, s0  }
0x10: {  	v2 =	vlaneseq.u32;
	s3 =	sadd.s32 $0x3800, s0;
	s26 =	smax.u32 s6, $0x1;
	s6 =	simm.s32 $0x19C00  }
0x11: {  	vm0 =	vmmov $0xffff;
	v1 =	vshrl.u32 v2, $0x3;
	s5 =	sadd.s32 $0x800, s5;
	[dreg:$0x4] =	wrdreg s26;
	s26 =	simm.s32 $0x15C00  }
0x12: {  	v0 =	vand.u32 $0x7, v2;
	v2 =	vor.u32 $0x8, v2;
	v1 =	vmul.u32 $0x8, v1;
	[dreg:$0x3] =	wrdreg s5;
	s5 =	sadd.s32 $0x3900, s0;
	s0 =	simm.s32 $0x18C00  }
.LBB2_5:
0x13: {  	s19 =	rddreg [dreg:$0x5]  }
0x14: {  	s18 =	rddreg [dreg:$0x4];
	s19 =	sadd.s32 $0x1, s19  }
0x15: {  	p0 =	sne.s32 s19, s18  }
.Ltmp1:
0x16: {  	_ = 	snop;
	(pc) =	sbr.rel @!p0 .LBB2_6-.Ltmp1, $1  }
0x17: {  	_ =	sdelay $0x3  }
.LBB2_1:
0x18: {  	[dreg:$0x5] =	wrdreg s19  }
0x19: {  	s18 =	rddreg [dreg:$0x3]  }
0x1a: {  	[tilespmem:s2], [sflag:$0x3] =	stream.linear.gather [hbm4b:s18+s2], $0xB00, $0x38;
	[tilespmem:$0x1CC00] =	vst v63  }
0x1b: {  	_ =	swait.ge [sflag:s8], $0xB00  }
0x1c: {  	[sflag:s8] =	ssyncset.done $0x0  }
0x1d: {  	[sflag:s8] =	ssyncadd.s32 $0xFFFFF500  }
0x1e: {  	v3 =	vld [tilespmem:$0x0];
	_ =	sdelay $0x4  }
0x1f: {  	v4 =	vshll.u32 v3, $0x2  }
0x20: {  	v3 =	vand.u32 $0x7, v3;
	v4 =	vand.u32 $0xFFFFFFE0, v4  }
0x21: {  	v3 =	vor.u32 v3, v4  }
0x22: {  	v4 =	vperm.xlane v3, v0;
	_ =	sdelay $0x1  }
0x23: {  	v4 =	vadd.s32 v1, v4;
	_ =	sdelay $0x1  }
0x24: {  	v3 =	vperm.xlane v3, v2;
	_ =	sdelay $0x1  }
0x25: {  	v3 =	vadd.s32 v1, v3  }
0x26: {  	[tilespmem:s9], [sflag:$0x1] =	stream.indirect_vreg.gather [hbm4b:s3+s2], $0x80, v4, vm0, $0xb8;
	[tilespmem:$0x1CC00] =	vst v63  }
0x27: {  	s20 =	simm.s32 $0x1400  }
0x28: {  	[tilespmem:s20], [sflag:$0x1] =	stream.indirect_vreg.gather [hbm4b:s5+s2], $0x80, v4, vm0, $0xb8;
	[tilespmem:$0x1CC00] =	vst v63  }
0x29: {  	s19 =	simm.s32 $0x1C00  }
0x2a: {  	[tilespmem:s19], [sflag:$0x1] =	stream.indirect_vreg.gather [hbm4b:s3+s2], $0x80, v3, vm0, $0xb8;
	[tilespmem:$0x1CC00] =	vst v63  }
0x2b: {  	s20 =	simm.s32 $0x2400  }
0x2c: {  	[tilespmem:s20], [sflag:$0x1] =	stream.indirect_vreg.gather [hbm4b:s5+s2], $0x80, v3, vm0, $0xb8;
	[tilespmem:$0x1CC00] =	vst v63  }
0x2d: {  	v3 =	vld [tilespmem:$0x10];
	_ =	sdelay $0x4  }
0x2e: {  	v58 =	vshll.u32 v3, $0x2  }
0x2f: {  	v3 =	vand.u32 $0x7, v3;
	v4 =	vand.u32 $0xFFFFFFE0, v58  }
0x30: {  	v3 =	vor.u32 v3, v4  }
0x31: {  	v4 =	vperm.xlane v3, v0;
	_ =	sdelay $0x1  }
0x32: {  	v4 =	vadd.s32 v1, v4;
	_ =	sdelay $0x1  }
0x33: {  	v3 =	vperm.xlane v3, v2;
	_ =	sdelay $0x1  }
0x34: {  	s19 =	simm.s32 $0x2C00;
	v3 =	vadd.s32 v1, v3  }
0x35: {  	[tilespmem:s19], [sflag:$0x1] =	stream.indirect_vreg.gather [hbm4b:s3+s2], $0x80, v4, vm0, $0xb8;
	[tilespmem:$0x1CC00] =	vst v63  }
0x36: {  	s20 =	simm.s32 $0x3400  }
0x37: {  	[tilespmem:s20], [sflag:$0x1] =	stream.indirect_vreg.gather [hbm4b:s5+s2], $0x80, v4, vm0, $0xb8;
	[tilespmem:$0x1CC00] =	vst v63  }
0x38: {  	s19 =	simm.s32 $0x3C00  }
0x39: {  	[tilespmem:s19], [sflag:$0x1] =	stream.indirect_vreg.gather [hbm4b:s3+s2], $0x80, v3, vm0, $0xb8;
	[tilespmem:$0x1CC00] =	vst v63  }
0x3a: {  	s20 =	simm.s32 $0x4400  }
0x3b: {  	[tilespmem:s20], [sflag:$0x1] =	stream.indirect_vreg.gather [hbm4b:s5+s2], $0x80, v3, vm0, $0xb8;
	[tilespmem:$0x1CC00] =	vst v63  }
0x3c: {  	v3 =	vld [tilespmem:$0x20];
	_ =	sdelay $0x4  }
0x3d: {  	v59 =	vshll.u32 v3, $0x2  }
0x3e: {  	v3 =	vand.u32 $0x7, v3;
	v4 =	vand.u32 $0xFFFFFFE0, v59  }
0x3f: {  	v3 =	vor.u32 v3, v4  }
0x40: {  	v4 =	vperm.xlane v3, v0;
	_ =	sdelay $0x1  }
0x41: {  	v4 =	vadd.s32 v1, v4;
	_ =	sdelay $0x1  }
0x42: {  	v3 =	vperm.xlane v3, v2;
	_ =	sdelay $0x1  }
0x43: {  	s19 =	simm.s32 $0x4C00;
	v3 =	vadd.s32 v1, v3  }
0x44: {  	[tilespmem:s19], [sflag:$0x1] =	stream.indirect_vreg.gather [hbm4b:s3+s2], $0x80, v4, vm0, $0xb8;
	[tilespmem:$0x1CC00] =	vst v63  }
0x45: {  	s20 =	simm.s32 $0x5400  }
0x46: {  	[tilespmem:s20], [sflag:$0x1] =	stream.indirect_vreg.gather [hbm4b:s5+s2], $0x80, v4, vm0, $0xb8;
	[tilespmem:$0x1CC00] =	vst v63  }
0x47: {  	s19 =	simm.s32 $0x5C00  }
0x48: {  	[tilespmem:s19], [sflag:$0x1] =	stream.indirect_vreg.gather [hbm4b:s3+s2], $0x80, v3, vm0, $0xb8;
	[tilespmem:$0x1CC00] =	vst v63  }
0x49: {  	s20 =	simm.s32 $0x6400  }
0x4a: {  	[tilespmem:s20], [sflag:$0x1] =	stream.indirect_vreg.gather [hbm4b:s5+s2], $0x80, v3, vm0, $0xb8;
	[tilespmem:$0x1CC00] =	vst v63  }
0x4b: {  	v3 =	vld [tilespmem:$0x30];
	_ =	sdelay $0x4  }
0x4c: {  	v60 =	vshll.u32 v3, $0x2  }
0x4d: {  	v3 =	vand.u32 $0x7, v3;
	v4 =	vand.u32 $0xFFFFFFE0, v60  }
0x4e: {  	v3 =	vor.u32 v3, v4  }
0x4f: {  	v4 =	vperm.xlane v3, v0;
	_ =	sdelay $0x1  }
0x50: {  	v4 =	vadd.s32 v1, v4;
	_ =	sdelay $0x1  }
0x51: {  	v3 =	vperm.xlane v3, v2;
	_ =	sdelay $0x1  }
0x52: {  	s19 =	simm.s32 $0x6C00;
	v3 =	vadd.s32 v1, v3  }
0x53: {  	[tilespmem:s19], [sflag:$0x1] =	stream.indirect_vreg.gather [hbm4b:s3+s2], $0x80, v4, vm0, $0xb8;
	[tilespmem:$0x1CC00] =	vst v63  }
0x54: {  	s20 =	simm.s32 $0x7400  }
0x55: {  	[tilespmem:s20], [sflag:$0x1] =	stream.indirect_vreg.gather [hbm4b:s5+s2], $0x80, v4, vm0, $0xb8;
	[tilespmem:$0x1CC00] =	vst v63  }
0x56: {  	s19 =	simm.s32 $0x7C00  }
0x57: {  	[tilespmem:s19], [sflag:$0x1] =	stream.indirect_vreg.gather [hbm4b:s3+s2], $0x80, v3, vm0, $0xb8;
	[tilespmem:$0x1CC00] =	vst v63  }
0x58: {  	s20 =	simm.s32 $0x8400  }
0x59: {  	[tilespmem:s20], [sflag:$0x1] =	stream.indirect_vreg.gather [hbm4b:s5+s2], $0x80, v3, vm0, $0xb8;
	[tilespmem:$0x1CC00] =	vst v63  }
0x5a: {  	v3 =	vld [tilespmem:$0x40];
	_ =	sdelay $0x4  }
0x5b: {  	v61 =	vshll.u32 v3, $0x2  }
0x5c: {  	v3 =	vand.u32 $0x7, v3;
	v4 =	vand.u32 $0xFFFFFFE0, v61  }
0x5d: {  	v3 =	vor.u32 v3, v4  }
0x5e: {  	v4 =	vperm.xlane v3, v0;
	_ =	sdelay $0x1  }
0x5f: {  	v4 =	vadd.s32 v1, v4;
	_ =	sdelay $0x1  }
0x60: {  	v3 =	vperm.xlane v3, v2;
	_ =	sdelay $0x1  }
0x61: {  	s19 =	simm.s32 $0x8C00;
	v3 =	vadd.s32 v1, v3  }
0x62: {  	[tilespmem:s19], [sflag:$0x1] =	stream.indirect_vreg.gather [hbm4b:s3+s2], $0x80, v4, vm0, $0xb8;
	[tilespmem:$0x1CC00] =	vst v63  }
0x63: {  	s20 =	simm.s32 $0x9400  }
0x64: {  	[tilespmem:s20], [sflag:$0x1] =	stream.indirect_vreg.gather [hbm4b:s5+s2], $0x80, v4, vm0, $0xb8;
	[tilespmem:$0x1CC00] =	vst v63  }
0x65: {  	s19 =	simm.s32 $0x9C00  }
0x66: {  	[tilespmem:s19], [sflag:$0x1] =	stream.indirect_vreg.gather [hbm4b:s3+s2], $0x80, v3, vm0, $0xb8;
	[tilespmem:$0x1CC00] =	vst v63  }
0x67: {  	s20 =	simm.s32 $0xA400  }
0x68: {  	[tilespmem:s20], [sflag:$0x1] =	stream.indirect_vreg.gather [hbm4b:s5+s2], $0x80, v3, vm0, $0xb8;
	[tilespmem:$0x1CC00] =	vst v63  }
0x69: {  	v3 =	vld [tilespmem:$0x50];
	_ =	sdelay $0x4  }
0x6a: {  	v62 =	vshll.u32 v3, $0x2  }
0x6b: {  	v3 =	vand.u32 $0x7, v3;
	v4 =	vand.u32 $0xFFFFFFE0, v62  }
0x6c: {  	v3 =	vor.u32 v3, v4  }
0x6d: {  	v4 =	vperm.xlane v3, v0;
	_ =	sdelay $0x1  }
0x6e: {  	v4 =	vadd.s32 v1, v4;
	_ =	sdelay $0x1  }
0x6f: {  	v3 =	vperm.xlane v3, v2;
	_ =	sdelay $0x1  }
0x70: {  	s19 =	simm.s32 $0xAC00;
	v3 =	vadd.s32 v1, v3  }
0x71: {  	[tilespmem:s19], [sflag:$0x1] =	stream.indirect_vreg.gather [hbm4b:s3+s2], $0x80, v4, vm0, $0xb8;
	[tilespmem:$0x1CC00] =	vst v63  }
0x72: {  	s20 =	simm.s32 $0xB400  }
0x73: {  	[tilespmem:s20], [sflag:$0x1] =	stream.indirect_vreg.gather [hbm4b:s5+s2], $0x80, v4, vm0, $0xb8;
	[tilespmem:$0x1CC00] =	vst v63  }
0x74: {  	s19 =	simm.s32 $0xBC00  }
0x75: {  	[tilespmem:s19], [sflag:$0x1] =	stream.indirect_vreg.gather [hbm4b:s3+s2], $0x80, v3, vm0, $0xb8;
	[tilespmem:$0x1CC00] =	vst v63  }
0x76: {  	s20 =	simm.s32 $0xC400  }
0x77: {  	[tilespmem:s20], [sflag:$0x1] =	stream.indirect_vreg.gather [hbm4b:s5+s2], $0x80, v3, vm0, $0xb8;
	[tilespmem:$0x1CC00] =	vst v63  }
0x78: {  	v3 =	vld [tilespmem:$0x60];
	_ =	sdelay $0x4  }
0x79: {  	v63 =	vshll.u32 v3, $0x2  }
0x7a: {  	v3 =	vand.u32 $0x7, v3;
	v4 =	vand.u32 $0xFFFFFFE0, v63  }
0x7b: {  	v3 =	vor.u32 v3, v4  }
0x7c: {  	v4 =	vperm.xlane v3, v0;
	_ =	sdelay $0x1  }
0x7d: {  	v4 =	vadd.s32 v1, v4;
	_ =	sdelay $0x2  }
0x7e: {  	v3 =	vperm.xlane v3, v2  }
0x7f: {  	s19 =	simm.s32 $0xCC00  }
0x80: {  	v3 =	vadd.s32 v1, v3;
	[tilespmem:s19], [sflag:$0x1] =	stream.indirect_vreg.gather [hbm4b:s3+s2], $0x80, v4, vm0, $0xb8;
	[tilespmem:$0x1CC00] =	vst v63  }
0x81: {  	s20 =	simm.s32 $0xD400  }
0x82: {  	[tilespmem:s20], [sflag:$0x1] =	stream.indirect_vreg.gather [hbm4b:s5+s2], $0x80, v4, vm0, $0xb8;
	[tilespmem:$0x1CC00] =	vst v63  }
.Ltmp2:
0x83: {  	_ = 	snop;
	(pc) =	sbr.rel .LBB2_2-.Ltmp2, $4  }
0x84: {  	s19 =	simm.s32 $0xDC00  }
0x85: {  	[tilespmem:s19], [sflag:$0x1] =	stream.indirect_vreg.gather [hbm4b:s3+s2], $0x80, v3, vm0, $0xb8;
	[tilespmem:$0x1CC00] =	vst v63  }
0x86: {  	s18 =	simm.s32 $0xB0;
	s20 =	simm.s32 $0xE400;
	s19 =	simm.s32 $0x0  }
0x87: {  	[tilespmem:s20], [sflag:$0x1] =	stream.indirect_vreg.gather [hbm4b:s5+s2], $0x80, v3, vm0, $0xb8;
	[tilespmem:$0x1CC00] =	vst v63  }
.LBB2_4:
0x88: {  	_ =	swait.ge [sflag:s17], $0xE000;
	s19 =	sadd.s32 $0x3800, s19  }
0x89: {  	[sflag:s17] =	ssyncset.done $0x0;
	p0 =	sne.s32 s19, $0x26800  }
.Ltmp3:
0x8a: {  	s20 =	sadd.s32 $0x1C00, s20;
	[sflag:s17] =	ssyncadd.s32 $0xFFFF2000;
	(pc) =	sbr.rel @!p0 .LBB2_5-.Ltmp3, $4  }
0x8b: {  	[hbm4b:s20+s2] =	stream.linear.scatter [tilespmem:s12], [sflag:$0x3], $0xE000, $0x38;
	[tilespmem:$0x1CC00] =	vst v63  }
0x8c: {  	_ =	swait.ge [sflag:s8], $0xE000  }
0x8d: {  	[sflag:s8] =	ssyncset.done $0x0  }
0x8e: {  	s18 =	sadd.s32 $0x100, s18;
	[sflag:s8] =	ssyncadd.s32 $0xFFFF2000  }
.LBB2_2:
0x8f: {  	v3 =	vld [tilespmem:s18+$0xFFFFFFD0];
	_ =	sdelay $0x4  }
0x90: {  	v4 =	vshll.u32 v3, $0x2  }
0x91: {  	v3 =	vand.u32 $0x7, v3;
	v4 =	vand.u32 $0xFFFFFFE0, v4  }
0x92: {  	v3 =	vor.u32 v3, v4  }
0x93: {  	v4 =	vperm.xlane v3, v0;
	_ =	sdelay $0x1  }
0x94: {  	v4 =	vadd.s32 v1, v4;
	_ =	sdelay $0x1  }
0x95: {  	v3 =	vperm.xlane v3, v2;
	_ =	sdelay $0x1  }
0x96: {  	v3 =	vadd.s32 v1, v3  }
0x97: {  	[tilespmem:s12], [sflag:$0x2] =	stream.indirect_vreg.gather [hbm4b:s3+s2], $0x80, v4, vm0, $0xb8;
	[tilespmem:$0x1CC00] =	vst v63  }
0x98: {  	_ = 	snop  }
0x99: {  	[tilespmem:s21], [sflag:$0x2] =	stream.indirect_vreg.gather [hbm4b:s5+s2], $0x80, v4, vm0, $0xb8;
	[tilespmem:$0x1CC00] =	vst v63  }
0x9a: {  	s20 =	simm.s32 $0xFC00  }
0x9b: {  	[tilespmem:s20], [sflag:$0x2] =	stream.indirect_vreg.gather [hbm4b:s3+s2], $0x80, v3, vm0, $0xb8;
	[tilespmem:$0x1CC00] =	vst v63  }
0x9c: {  	s20 =	simm.s32 $0x10400  }
0x9d: {  	[tilespmem:s20], [sflag:$0x2] =	stream.indirect_vreg.gather [hbm4b:s5+s2], $0x80, v3, vm0, $0xb8;
	[tilespmem:$0x1CC00] =	vst v63  }
0x9e: {  	v3 =	vld [tilespmem:s18+$0xFFFFFFE0];
	_ =	sdelay $0x4  }
0x9f: {  	v58 =	vshll.u32 v3, $0x2  }
0xa0: {  	v3 =	vand.u32 $0x7, v3;
	v4 =	vand.u32 $0xFFFFFFE0, v58  }
0xa1: {  	v3 =	vor.u32 v3, v4  }
0xa2: {  	v4 =	vperm.xlane v3, v0;
	_ =	sdelay $0x1  }
0xa3: {  	v4 =	vadd.s32 v1, v4;
	_ =	sdelay $0x1  }
0xa4: {  	v3 =	vperm.xlane v3, v2;
	_ =	sdelay $0x1  }
0xa5: {  	s20 =	simm.s32 $0x10C00;
	v3 =	vadd.s32 v1, v3  }
0xa6: {  	[tilespmem:s20], [sflag:$0x2] =	stream.indirect_vreg.gather [hbm4b:s3+s2], $0x80, v4, vm0, $0xb8;
	[tilespmem:$0x1CC00] =	vst v63  }
0xa7: {  	s20 =	simm.s32 $0x11400  }
0xa8: {  	[tilespmem:s20], [sflag:$0x2] =	stream.indirect_vreg.gather [hbm4b:s5+s2], $0x80, v4, vm0, $0xb8;
	[tilespmem:$0x1CC00] =	vst v63  }
0xa9: {  	s20 =	simm.s32 $0x11C00  }
0xaa: {  	[tilespmem:s20], [sflag:$0x2] =	stream.indirect_vreg.gather [hbm4b:s3+s2], $0x80, v3, vm0, $0xb8;
	[tilespmem:$0x1CC00] =	vst v63  }
0xab: {  	s20 =	simm.s32 $0x12400  }
0xac: {  	[tilespmem:s20], [sflag:$0x2] =	stream.indirect_vreg.gather [hbm4b:s5+s2], $0x80, v3, vm0, $0xb8;
	[tilespmem:$0x1CC00] =	vst v63  }
0xad: {  	v3 =	vld [tilespmem:s18+$0xFFFFFFF0];
	_ =	sdelay $0x4  }
0xae: {  	v59 =	vshll.u32 v3, $0x2  }
0xaf: {  	v3 =	vand.u32 $0x7, v3;
	v4 =	vand.u32 $0xFFFFFFE0, v59  }
0xb0: {  	v3 =	vor.u32 v3, v4  }
0xb1: {  	v4 =	vperm.xlane v3, v0;
	_ =	sdelay $0x1  }
0xb2: {  	v4 =	vadd.s32 v1, v4;
	_ =	sdelay $0x1  }
0xb3: {  	v3 =	vperm.xlane v3, v2;
	_ =	sdelay $0x1  }
0xb4: {  	s20 =	simm.s32 $0x12C00;
	v3 =	vadd.s32 v1, v3  }
0xb5: {  	[tilespmem:s20], [sflag:$0x2] =	stream.indirect_vreg.gather [hbm4b:s3+s2], $0x80, v4, vm0, $0xb8;
	[tilespmem:$0x1CC00] =	vst v63  }
0xb6: {  	s20 =	simm.s32 $0x13400  }
0xb7: {  	[tilespmem:s20], [sflag:$0x2] =	stream.indirect_vreg.gather [hbm4b:s5+s2], $0x80, v4, vm0, $0xb8;
	[tilespmem:$0x1CC00] =	vst v63  }
0xb8: {  	_ = 	snop  }
0xb9: {  	[tilespmem:s22], [sflag:$0x2] =	stream.indirect_vreg.gather [hbm4b:s3+s2], $0x80, v3, vm0, $0xb8;
	[tilespmem:$0x1CC00] =	vst v63  }
0xba: {  	_ = 	snop  }
0xbb: {  	[tilespmem:s23], [sflag:$0x2] =	stream.indirect_vreg.gather [hbm4b:s5+s2], $0x80, v3, vm0, $0xb8;
	[tilespmem:$0x1CC00] =	vst v63  }
0xbc: {  	v3 =	vld [tilespmem:s18+$0x0];
	_ =	sdelay $0x4  }
0xbd: {  	v60 =	vshll.u32 v3, $0x2  }
0xbe: {  	v3 =	vand.u32 $0x7, v3;
	v4 =	vand.u32 $0xFFFFFFE0, v60  }
0xbf: {  	v3 =	vor.u32 v3, v4  }
0xc0: {  	v4 =	vperm.xlane v3, v0;
	_ =	sdelay $0x1  }
0xc1: {  	v4 =	vadd.s32 v1, v4;
	_ =	sdelay $0x1  }
0xc2: {  	v3 =	vperm.xlane v3, v2;
	_ =	sdelay $0x1  }
0xc3: {  	v3 =	vadd.s32 v1, v3  }
0xc4: {  	[tilespmem:s24], [sflag:$0x2] =	stream.indirect_vreg.gather [hbm4b:s3+s2], $0x80, v4, vm0, $0xb8;
	[tilespmem:$0x1CC00] =	vst v63  }
0xc5: {  	_ = 	snop  }
0xc6: {  	[tilespmem:s25], [sflag:$0x2] =	stream.indirect_vreg.gather [hbm4b:s5+s2], $0x80, v4, vm0, $0xb8;
	[tilespmem:$0x1CC00] =	vst v63  }
0xc7: {  	_ = 	snop  }
0xc8: {  	[tilespmem:s26], [sflag:$0x2] =	stream.indirect_vreg.gather [hbm4b:s3+s2], $0x80, v3, vm0, $0xb8;
	[tilespmem:$0x1CC00] =	vst v63  }
0xc9: {  	_ = 	snop  }
0xca: {  	[tilespmem:s28], [sflag:$0x2] =	stream.indirect_vreg.gather [hbm4b:s5+s2], $0x80, v3, vm0, $0xb8;
	[tilespmem:$0x1CC00] =	vst v63  }
0xcb: {  	v3 =	vld [tilespmem:s18+$0x10];
	_ =	sdelay $0x4  }
0xcc: {  	v61 =	vshll.u32 v3, $0x2  }
0xcd: {  	v3 =	vand.u32 $0x7, v3;
	v4 =	vand.u32 $0xFFFFFFE0, v61  }
0xce: {  	v3 =	vor.u32 v3, v4  }
0xcf: {  	v4 =	vperm.xlane v3, v0;
	_ =	sdelay $0x1  }
0xd0: {  	v4 =	vadd.s32 v1, v4;
	_ =	sdelay $0x1  }
0xd1: {  	v3 =	vperm.xlane v3, v2;
	_ =	sdelay $0x1  }
0xd2: {  	v3 =	vadd.s32 v1, v3  }
0xd3: {  	[tilespmem:s29], [sflag:$0x2] =	stream.indirect_vreg.gather [hbm4b:s3+s2], $0x80, v4, vm0, $0xb8;
	[tilespmem:$0x1CC00] =	vst v63  }
0xd4: {  	_ = 	snop  }
0xd5: {  	[tilespmem:s30], [sflag:$0x2] =	stream.indirect_vreg.gather [hbm4b:s5+s2], $0x80, v4, vm0, $0xb8;
	[tilespmem:$0x1CC00] =	vst v63  }
0xd6: {  	_ = 	snop  }
0xd7: {  	[tilespmem:s31], [sflag:$0x2] =	stream.indirect_vreg.gather [hbm4b:s3+s2], $0x80, v3, vm0, $0xb8;
	[tilespmem:$0x1CC00] =	vst v63  }
0xd8: {  	_ = 	snop  }
0xd9: {  	[tilespmem:s1], [sflag:$0x2] =	stream.indirect_vreg.gather [hbm4b:s5+s2], $0x80, v3, vm0, $0xb8;
	[tilespmem:$0x1CC00] =	vst v63  }
0xda: {  	v3 =	vld [tilespmem:s18+$0x20];
	_ =	sdelay $0x4  }
0xdb: {  	v62 =	vshll.u32 v3, $0x2  }
0xdc: {  	v3 =	vand.u32 $0x7, v3;
	v4 =	vand.u32 $0xFFFFFFE0, v62  }
0xdd: {  	v3 =	vor.u32 v3, v4  }
0xde: {  	v4 =	vperm.xlane v3, v0;
	_ =	sdelay $0x1  }
0xdf: {  	v4 =	vadd.s32 v1, v4;
	_ =	sdelay $0x1  }
0xe0: {  	v3 =	vperm.xlane v3, v2;
	_ =	sdelay $0x1  }
0xe1: {  	v3 =	vadd.s32 v1, v3  }
0xe2: {  	[tilespmem:s0], [sflag:$0x2] =	stream.indirect_vreg.gather [hbm4b:s3+s2], $0x80, v4, vm0, $0xb8;
	[tilespmem:$0x1CC00] =	vst v63  }
0xe3: {  	_ = 	snop  }
0xe4: {  	[tilespmem:s4], [sflag:$0x2] =	stream.indirect_vreg.gather [hbm4b:s5+s2], $0x80, v4, vm0, $0xb8;
	[tilespmem:$0x1CC00] =	vst v63  }
0xe5: {  	_ = 	snop  }
0xe6: {  	[tilespmem:s6], [sflag:$0x2] =	stream.indirect_vreg.gather [hbm4b:s3+s2], $0x80, v3, vm0, $0xb8;
	[tilespmem:$0x1CC00] =	vst v63  }
0xe7: {  	_ = 	snop  }
0xe8: {  	[tilespmem:s10], [sflag:$0x2] =	stream.indirect_vreg.gather [hbm4b:s5+s2], $0x80, v3, vm0, $0xb8;
	[tilespmem:$0x1CC00] =	vst v63  }
0xe9: {  	v3 =	vld [tilespmem:s18+$0x30];
	_ =	sdelay $0x4  }
0xea: {  	v63 =	vshll.u32 v3, $0x2  }
0xeb: {  	v3 =	vand.u32 $0x7, v3;
	v4 =	vand.u32 $0xFFFFFFE0, v63  }
0xec: {  	v3 =	vor.u32 v3, v4  }
0xed: {  	v4 =	vperm.xlane v3, v0;
	_ =	sdelay $0x1  }
0xee: {  	v4 =	vadd.s32 v1, v4;
	_ =	sdelay $0x1  }
0xef: {  	v3 =	vperm.xlane v3, v2;
	_ =	sdelay $0x1  }
0xf0: {  	v3 =	vadd.s32 v1, v3  }
0xf1: {  	[tilespmem:s11], [sflag:$0x2] =	stream.indirect_vreg.gather [hbm4b:s3+s2], $0x80, v4, vm0, $0xb8;
	[tilespmem:$0x1CC00] =	vst v63  }
0xf2: {  	_ = 	snop  }
0xf3: {  	[tilespmem:s13], [sflag:$0x2] =	stream.indirect_vreg.gather [hbm4b:s5+s2], $0x80, v4, vm0, $0xb8;
	[tilespmem:$0x1CC00] =	vst v63  }
0xf4: {  	_ = 	snop  }
0xf5: {  	[tilespmem:s14], [sflag:$0x2] =	stream.indirect_vreg.gather [hbm4b:s3+s2], $0x80, v3, vm0, $0xb8;
	[tilespmem:$0x1CC00] =	vst v63  }
0xf6: {  	_ = 	snop  }
0xf7: {  	[tilespmem:s15], [sflag:$0x2] =	stream.indirect_vreg.gather [hbm4b:s5+s2], $0x80, v3, vm0, $0xb8;
	[tilespmem:$0x1CC00] =	vst v63  }
0xf8: {  	_ =	swait.ge [sflag:s16], $0xE000  }
0xf9: {  	p0 =	seq.s32 s19, $0x23000;
	[sflag:s16] =	ssyncset.done $0x0  }
.Ltmp4:
0xfa: {  	s20 =	sadd.s32 s19, s7;
	[sflag:s16] =	ssyncadd.s32 $0xFFFF2000;
	(pc) =	sbr.rel @p0 .LBB2_4-.Ltmp4, $4  }
0xfb: {  	[hbm4b:s20+s2] =	stream.linear.scatter [tilespmem:s9], [sflag:$0x3], $0xE000, $0x38;
	[tilespmem:$0x1CC00] =	vst v63  }
0xfc: {  	_ =	swait.ge [sflag:s8], $0xE000  }
0xfd: {  	[sflag:s8] =	ssyncset.done $0x0  }
0xfe: {  	[sflag:s8] =	ssyncadd.s32 $0xFFFF2000  }
0xff: {  	v3 =	vld [tilespmem:s18+$0x50];
	_ =	sdelay $0x4  }
0x100: {  	v4 =	vshll.u32 v3, $0x2  }
0x101: {  	v3 =	vand.u32 $0x7, v3;
	v4 =	vand.u32 $0xFFFFFFE0, v4  }
0x102: {  	v3 =	vor.u32 v3, v4  }
0x103: {  	v4 =	vperm.xlane v3, v0;
	_ =	sdelay $0x1  }
0x104: {  	v4 =	vadd.s32 v1, v4;
	_ =	sdelay $0x1  }
0x105: {  	v3 =	vperm.xlane v3, v2;
	_ =	sdelay $0x1  }
0x106: {  	v3 =	vadd.s32 v1, v3  }
0x107: {  	[tilespmem:s9], [sflag:$0x1] =	stream.indirect_vreg.gather [hbm4b:s3+s2], $0x80, v4, vm0, $0xb8;
	[tilespmem:$0x1CC00] =	vst v63  }
0x108: {  	s21 =	simm.s32 $0x1400  }
0x109: {  	[tilespmem:s21], [sflag:$0x1] =	stream.indirect_vreg.gather [hbm4b:s5+s2], $0x80, v4, vm0, $0xb8;
	[tilespmem:$0x1CC00] =	vst v63  }
0x10a: {  	s21 =	simm.s32 $0x1C00  }
0x10b: {  	[tilespmem:s21], [sflag:$0x1] =	stream.indirect_vreg.gather [hbm4b:s3+s2], $0x80, v3, vm0, $0xb8;
	[tilespmem:$0x1CC00] =	vst v63  }
0x10c: {  	s21 =	simm.s32 $0x2400  }
0x10d: {  	[tilespmem:s21], [sflag:$0x1] =	stream.indirect_vreg.gather [hbm4b:s5+s2], $0x80, v3, vm0, $0xb8;
	[tilespmem:$0x1CC00] =	vst v63  }
0x10e: {  	v3 =	vld [tilespmem:s18+$0x60];
	_ =	sdelay $0x4  }
0x10f: {  	v58 =	vshll.u32 v3, $0x2  }
0x110: {  	v3 =	vand.u32 $0x7, v3;
	v4 =	vand.u32 $0xFFFFFFE0, v58  }
0x111: {  	v3 =	vor.u32 v3, v4  }
0x112: {  	v4 =	vperm.xlane v3, v0;
	_ =	sdelay $0x1  }
0x113: {  	v4 =	vadd.s32 v1, v4;
	_ =	sdelay $0x1  }
0x114: {  	v3 =	vperm.xlane v3, v2;
	_ =	sdelay $0x1  }
0x115: {  	s21 =	simm.s32 $0x2C00;
	v3 =	vadd.s32 v1, v3  }
0x116: {  	[tilespmem:s21], [sflag:$0x1] =	stream.indirect_vreg.gather [hbm4b:s3+s2], $0x80, v4, vm0, $0xb8;
	[tilespmem:$0x1CC00] =	vst v63  }
0x117: {  	s21 =	simm.s32 $0x3400  }
0x118: {  	[tilespmem:s21], [sflag:$0x1] =	stream.indirect_vreg.gather [hbm4b:s5+s2], $0x80, v4, vm0, $0xb8;
	[tilespmem:$0x1CC00] =	vst v63  }
0x119: {  	s21 =	simm.s32 $0x3C00  }
0x11a: {  	[tilespmem:s21], [sflag:$0x1] =	stream.indirect_vreg.gather [hbm4b:s3+s2], $0x80, v3, vm0, $0xb8;
	[tilespmem:$0x1CC00] =	vst v63  }
0x11b: {  	s21 =	simm.s32 $0x4400  }
0x11c: {  	[tilespmem:s21], [sflag:$0x1] =	stream.indirect_vreg.gather [hbm4b:s5+s2], $0x80, v3, vm0, $0xb8;
	[tilespmem:$0x1CC00] =	vst v63  }
0x11d: {  	v3 =	vld [tilespmem:s18+$0x70];
	_ =	sdelay $0x4  }
0x11e: {  	v59 =	vshll.u32 v3, $0x2  }
0x11f: {  	v3 =	vand.u32 $0x7, v3;
	v4 =	vand.u32 $0xFFFFFFE0, v59  }
0x120: {  	v3 =	vor.u32 v3, v4  }
0x121: {  	v4 =	vperm.xlane v3, v0;
	_ =	sdelay $0x1  }
0x122: {  	v4 =	vadd.s32 v1, v4;
	_ =	sdelay $0x1  }
0x123: {  	v3 =	vperm.xlane v3, v2;
	_ =	sdelay $0x1  }
0x124: {  	s21 =	simm.s32 $0x4C00;
	v3 =	vadd.s32 v1, v3  }
0x125: {  	[tilespmem:s21], [sflag:$0x1] =	stream.indirect_vreg.gather [hbm4b:s3+s2], $0x80, v4, vm0, $0xb8;
	[tilespmem:$0x1CC00] =	vst v63  }
0x126: {  	s21 =	simm.s32 $0x5400  }
0x127: {  	[tilespmem:s21], [sflag:$0x1] =	stream.indirect_vreg.gather [hbm4b:s5+s2], $0x80, v4, vm0, $0xb8;
	[tilespmem:$0x1CC00] =	vst v63  }
0x128: {  	s21 =	simm.s32 $0x5C00  }
0x129: {  	[tilespmem:s21], [sflag:$0x1] =	stream.indirect_vreg.gather [hbm4b:s3+s2], $0x80, v3, vm0, $0xb8;
	[tilespmem:$0x1CC00] =	vst v63  }
0x12a: {  	s21 =	simm.s32 $0x6400  }
0x12b: {  	[tilespmem:s21], [sflag:$0x1] =	stream.indirect_vreg.gather [hbm4b:s5+s2], $0x80, v3, vm0, $0xb8;
	[tilespmem:$0x1CC00] =	vst v63  }
0x12c: {  	v3 =	vld [tilespmem:s18+$0x80];
	_ =	sdelay $0x4  }
0x12d: {  	v60 =	vshll.u32 v3, $0x2  }
0x12e: {  	v3 =	vand.u32 $0x7, v3;
	v4 =	vand.u32 $0xFFFFFFE0, v60  }
0x12f: {  	v3 =	vor.u32 v3, v4  }
0x130: {  	v4 =	vperm.xlane v3, v0;
	_ =	sdelay $0x1  }
0x131: {  	v4 =	vadd.s32 v1, v4;
	_ =	sdelay $0x1  }
0x132: {  	v3 =	vperm.xlane v3, v2;
	_ =	sdelay $0x1  }
0x133: {  	s21 =	simm.s32 $0x6C00;
	v3 =	vadd.s32 v1, v3  }
0x134: {  	[tilespmem:s21], [sflag:$0x1] =	stream.indirect_vreg.gather [hbm4b:s3+s2], $0x80, v4, vm0, $0xb8;
	[tilespmem:$0x1CC00] =	vst v63  }
0x135: {  	s21 =	simm.s32 $0x7400  }
0x136: {  	[tilespmem:s21], [sflag:$0x1] =	stream.indirect_vreg.gather [hbm4b:s5+s2], $0x80, v4, vm0, $0xb8;
	[tilespmem:$0x1CC00] =	vst v63  }
0x137: {  	s21 =	simm.s32 $0x7C00  }
0x138: {  	[tilespmem:s21], [sflag:$0x1] =	stream.indirect_vreg.gather [hbm4b:s3+s2], $0x80, v3, vm0, $0xb8;
	[tilespmem:$0x1CC00] =	vst v63  }
0x139: {  	s21 =	simm.s32 $0x8400  }
0x13a: {  	[tilespmem:s21], [sflag:$0x1] =	stream.indirect_vreg.gather [hbm4b:s5+s2], $0x80, v3, vm0, $0xb8;
	[tilespmem:$0x1CC00] =	vst v63  }
0x13b: {  	v3 =	vld [tilespmem:s18+$0x90];
	_ =	sdelay $0x4  }
0x13c: {  	v61 =	vshll.u32 v3, $0x2  }
0x13d: {  	v3 =	vand.u32 $0x7, v3;
	v4 =	vand.u32 $0xFFFFFFE0, v61  }
0x13e: {  	v3 =	vor.u32 v3, v4  }
0x13f: {  	v4 =	vperm.xlane v3, v0;
	_ =	sdelay $0x1  }
0x140: {  	v4 =	vadd.s32 v1, v4;
	_ =	sdelay $0x1  }
0x141: {  	v3 =	vperm.xlane v3, v2;
	_ =	sdelay $0x1  }
0x142: {  	s21 =	simm.s32 $0x8C00;
	v3 =	vadd.s32 v1, v3  }
0x143: {  	[tilespmem:s21], [sflag:$0x1] =	stream.indirect_vreg.gather [hbm4b:s3+s2], $0x80, v4, vm0, $0xb8;
	[tilespmem:$0x1CC00] =	vst v63  }
0x144: {  	s21 =	simm.s32 $0x9400  }
0x145: {  	[tilespmem:s21], [sflag:$0x1] =	stream.indirect_vreg.gather [hbm4b:s5+s2], $0x80, v4, vm0, $0xb8;
	[tilespmem:$0x1CC00] =	vst v63  }
0x146: {  	s21 =	simm.s32 $0x9C00  }
0x147: {  	[tilespmem:s21], [sflag:$0x1] =	stream.indirect_vreg.gather [hbm4b:s3+s2], $0x80, v3, vm0, $0xb8;
	[tilespmem:$0x1CC00] =	vst v63  }
0x148: {  	s21 =	simm.s32 $0xA400  }
0x149: {  	[tilespmem:s21], [sflag:$0x1] =	stream.indirect_vreg.gather [hbm4b:s5+s2], $0x80, v3, vm0, $0xb8;
	[tilespmem:$0x1CC00] =	vst v63  }
0x14a: {  	v3 =	vld [tilespmem:s18+$0xA0];
	_ =	sdelay $0x4  }
0x14b: {  	v62 =	vshll.u32 v3, $0x2  }
0x14c: {  	v3 =	vand.u32 $0x7, v3;
	v4 =	vand.u32 $0xFFFFFFE0, v62  }
0x14d: {  	v3 =	vor.u32 v3, v4  }
0x14e: {  	v4 =	vperm.xlane v3, v0;
	_ =	sdelay $0x1  }
0x14f: {  	v4 =	vadd.s32 v1, v4;
	_ =	sdelay $0x1  }
0x150: {  	v3 =	vperm.xlane v3, v2;
	_ =	sdelay $0x1  }
0x151: {  	s21 =	simm.s32 $0xAC00;
	v3 =	vadd.s32 v1, v3  }
0x152: {  	[tilespmem:s21], [sflag:$0x1] =	stream.indirect_vreg.gather [hbm4b:s3+s2], $0x80, v4, vm0, $0xb8;
	[tilespmem:$0x1CC00] =	vst v63  }
0x153: {  	s21 =	simm.s32 $0xB400  }
0x154: {  	[tilespmem:s21], [sflag:$0x1] =	stream.indirect_vreg.gather [hbm4b:s5+s2], $0x80, v4, vm0, $0xb8;
	[tilespmem:$0x1CC00] =	vst v63  }
0x155: {  	s21 =	simm.s32 $0xBC00  }
0x156: {  	[tilespmem:s21], [sflag:$0x1] =	stream.indirect_vreg.gather [hbm4b:s3+s2], $0x80, v3, vm0, $0xb8;
	[tilespmem:$0x1CC00] =	vst v63  }
0x157: {  	s21 =	simm.s32 $0xC400  }
0x158: {  	[tilespmem:s21], [sflag:$0x1] =	stream.indirect_vreg.gather [hbm4b:s5+s2], $0x80, v3, vm0, $0xb8;
	[tilespmem:$0x1CC00] =	vst v63  }
0x159: {  	v3 =	vld [tilespmem:s18+$0xB0];
	_ =	sdelay $0x4  }
0x15a: {  	v63 =	vshll.u32 v3, $0x2  }
0x15b: {  	v3 =	vand.u32 $0x7, v3;
	v4 =	vand.u32 $0xFFFFFFE0, v63  }
0x15c: {  	v3 =	vor.u32 v3, v4  }
0x15d: {  	v4 =	vperm.xlane v3, v0;
	_ =	sdelay $0x1  }
0x15e: {  	v4 =	vadd.s32 v1, v4;
	_ =	sdelay $0x1  }
0x15f: {  	v3 =	vperm.xlane v3, v2;
	_ =	sdelay $0x1  }
0x160: {  	s21 =	simm.s32 $0xCC00;
	v3 =	vadd.s32 v1, v3  }
0x161: {  	[tilespmem:s21], [sflag:$0x1] =	stream.indirect_vreg.gather [hbm4b:s3+s2], $0x80, v4, vm0, $0xb8;
	[tilespmem:$0x1CC00] =	vst v63  }
0x162: {  	s21 =	simm.s32 $0xD400  }
0x163: {  	[tilespmem:s21], [sflag:$0x1] =	stream.indirect_vreg.gather [hbm4b:s5+s2], $0x80, v4, vm0, $0xb8;
	[tilespmem:$0x1CC00] =	vst v63  }
.Ltmp5:
0x164: {  	s21 =	simm.s32 $0xDC00;
	(pc) =	sbr.rel .LBB2_4-.Ltmp5, $4  }
0x165: {  	[tilespmem:s21], [sflag:$0x1] =	stream.indirect_vreg.gather [hbm4b:s3+s2], $0x80, v3, vm0, $0xb8;
	[tilespmem:$0x1CC00] =	vst v63  }
0x166: {  	s21 =	simm.s32 $0xE400  }
0x167: {  	[tilespmem:s21], [sflag:$0x1] =	stream.indirect_vreg.gather [hbm4b:s5+s2], $0x80, v3, vm0, $0xb8;
	[tilespmem:$0x1CC00] =	vst v63  }
0x168: {  	s21 =	simm.s32 $0xF400  }
.LBB2_6:
0x169: {  	_ =	sfence.sel $0x180000  }
0x16a: {  	[bflag:$0x0] =	sbarrier.arrive $0xFFFF  }
0x16b: {  	_ =	strace $0x90000047  }
0x16c: {  	s0 =	stileid.u32;
	[bflag:$0x2] =	sbarrier.arrive $0xFFFF  }
0x16d: {  	p0 =	sne.s32 s0, $0x0;
	s0 =	rddreg [dreg:$0x2]  }
0x16e: {  	s0 =	sadd.s32 @!p0 $0x100000, s0  }
0x16f: {  	[sflag:s0] =	ssyncadd.tile.s32 @!p0 $0x1;
	_ =	shalt  }
.Lfunc_end2:
_tile_overlayer_lowered:
.L_overlay_start_2:
0x170: {  	(tag) =	ssettag $0x2  }
0x171: {  	s0 =	rddreg [dreg:$0x0];
	s2 =	stileid.u32  }
0x172: {  	s1 =	rddreg [dreg:$0x1];
	p0 =	sne.s32 s2, $0x0  }
0x173: {  	s3 =	rddreg [dreg:$0x2];
	[bflag:$0x3] =	sbarrier.arrive $0xFFFF;
	s2 =	simm.s32 @!p0 $0x1C03  }
0x174: {  	[timem:s3], [sflag:s2] =	dma.local @!p0 [hbm:s0], s1  }
0x175: {  	s0 =	simm.s32 @!p0 $0x3  }
0x176: {  	_ =	swait.ge @!p0 [sflag:s0], s1  }
0x177: {  	s1 =	ssub.s32 @!p0 $0x0, s1;
	[sflag:s0] =	ssyncset.done @!p0 $0x0  }
0x178: {  	[sflag:s0] =	ssyncadd.s32 @!p0 s1  }
0x179: {  	[bflag:$0x3] =	sbarrier.arrive $0xFFFF  }
0x17a: {  	_ =	shalt  }

// kernel: sparse-core-data-format-call.cloned.1.call-start
scs
called_computation_lowered:
.L_overlay_start_0:
0x0: {  	s2 =	sld [smem:$0x3FD9]  }
0x1: {  	s3 =	sld [smem:$0x3FFE];
	_ =	sdelay $0x1  }
0x2: {  	s1 =	srdreg.scid  }
0x3: {  	s0 =	sand.u32 $0x1, s1  }
0x4: {  	s18 =	sshll.u32 s0, $0xA;
	s2 =	sadd.s32 s3, s2  }
0x5: {  	s2 =	sadd.s32 s2, s18  }
0x6: {  	[smem:$0x3FC5] =	sst s2  }
0x7: {  	_ = 	snop  }
0x8: {  	s2 =	sld [smem:$0x3FD0];
	(tm) =	ssettm $0x1  }
0x9: {  	s19 =	sld [smem:$0x3FFB];
	_ =	sdelay $0x3  }
0xa: {  	_ =	strace s19  }
0xb: {  	s3 =	sld [smem:$0x3FFC];
	_ =	sdelay $0x3  }
0xc: {  	_ =	strace s3  }
0xd: {  	s3 =	sld [smem:$0x3FFD];
	_ =	sdelay $0x3  }
0xe: {  	_ =	strace s3  }
0xf: {  	_ =	strace $0x8FFFFFFF  }
0x10: {  	s20 =	sld [smem:$0x3FDB];
	_ =	sdelay $0x1  }
0x11: {  	s4 =	simm.s32 $_scs_section_size  }
0x12: {  	s5 =	simm.s32 $_size__tile_overlayer_lowered;
	s6 =	simm.s32 $_tile_overlayer_lowered  }
0x13: {  	s23 =	simm.s32 $0x1BFF;
	s22 =	sshll.u32 s6, $0x1;
	s3 =	sadd.s32 s4, s20  }
0x14: {  	s7 =	simm.s32 $0x0;
	s21 =	sshll.u32 s5, $0x1;
	s5 =	sadd.s32 s22, s3  }
0x15: {  	[timem:s7], [sflag:s23] =	dma.local [hbm:s5], s21  }
0x16: {  	_ =	swait.ge [sflag:s23], s21  }
0x17: {  	s4 =	ssub.s32 $0x0, s21;
	[sflag:s23] =	ssyncset.done $0x0  }
0x18: {  	[sflag:s23] =	ssyncadd.s32 s4;
	_ =	sdelay $0x1  }
0x19: {  	s24 =	simm.s32 $0x1B8B  }
0x1a: {  	_ =	swait.ge [sflag:s24], $0x1  }
0x1b: {  	[sflag:s24] =	ssyncset.done $0x0  }
0x1c: {  	s26 =	simm.s32 $0x1B8E;
	s25 =	sld [smem:$0x3FFE];
	[sflag:s24] =	ssyncadd.s32 $0xFFFFFFFF  }
0x1d: {  	s27 =	simm.s32 $execute0_lowered;
	[smem:$0x3FD2] =	sst s26  }
0x1e: {  	s5 =	sshll.u32 s27, $0x1;
	_ =	strace $0x80000049;
	[dreg:$0x1] =	wrdreg $0xFFFFFFFF  }
0x1f: {  	s28 =	simm.s32 $_size_execute0_lowered;
	s3 =	sadd.s32 s3, s5;
	[dreg:$0x0] =	wrdreg $0x0  }
0x20: {  	s5 =	sshll.u32 s28, $0x1;
	[dreg:$0x2] =	wrdreg s3  }
0x21: {  	[dreg:$0x3] =	wrdreg s5  }
0x22: {  	[dreg:$0x4] =	wrdreg $0xC0  }
0x23: {  	_ =	task [dreg:s7], $0x5FFFF  }
0x24: {  	[dreg:$0x1] =	wrdreg $0xFFFFFFFF  }
0x25: {  	[dreg:$0x0] =	wrdreg $0x60  }
0x26: {  	[dreg:$0x2] =	wrdreg s25  }
0x27: {  	[dreg:$0x3] =	wrdreg s2  }
0x28: {  	[dreg:$0x4] =	wrdreg $0x9  }
0x29: {  	_ =	task.clear_ibuf [dreg:s7], $0x5FFFF;
	_ =	strace $0x90000049  }
0x2a: {  	s29 =	simm.s32 $0x9;
	_ =	strace $0x8000004B  }
0x2b: {  	_ =	swait.ge [sflag:s29], $0x1  }
0x2c: {  	[sflag:s29] =	ssyncadd.s32 $0xFFFFFFFF  }
0x2d: {  	_ =	strace $0x9000004B  }
0x2e: {  	_ =	sfence  }
0x2f: {  	s30 =	sld [smem:$0x0];
	_ =	sdelay $0x2  }
0x30: {  	s31 =	sshll.u32 s1, $0xD;
	s1 =	sshrl.u32 s1, $0x2  }
0x31: {  	s3 =	sand.u32 $0x4000, s31;
	s1 =	sadd.s32 s1, s30  }
0x32: {  	s0 =	sor.u32 s3, s0;
	s1 =	sshll.u32 s1, $0x11  }
0x33: {  	s0 =	sor.u32 s1, s0  }
0x34: {  	s0 =	sadd.s32 $0x8F2B, s0  }
0x35: {  	[sflag:s0] =	ssyncadd.remote.s32 $0x1  }
0x36: {  	_ =	sfence.sel $0xFFFF  }
0x37: {  	[dreg:$0x0] =	wrdreg $0xFFFFFFFF;
	(pc) =	sbr.abs _section_cstart, $3  }
0x38: {  	[dreg:$0x1] =	wrdreg $0xFFFFFFFF  }
0x39: {  	_ =	task.clear_ibuf [dreg:s7], $0x2FFFF;
	_ =	strace $0x9FFFFFFF  }
0x3a: {  	(tm) =	ssettm $0x7FFFFFFF  }
0x3b: {  	_ =	shalt  }
tec
execute0_lowered:
.L_overlay_start_1:
0x0: {  	(tag) =	ssettag $0x1  }
0x1: {  	s0 =	srdreg.scid  }
0x2: {  	s1 =	sshll.u32 s0, $0x4  }
0x3: {  	s8 =	rddreg [dreg:$0x0];
	s0 =	stileid.u32;
	s1 =	sand.u32 $0x10, s1  }
0x4: {  	s3 =	rddreg [dreg:$0x1];
	s29 =	sshll.u32 s0, $0x7;
	s7 =	sor.u32 s0, s1  }
0x5: {  	s30 =	simm.s32 $0x2;
	s1 =	sand.u32 $0x380, s29;
	s2 =	sshll.u32 s7, $0x4  }
0x6: {  	s18 =	simm.s32 $0x0;
	s4 =	ssub.s32 $0x400, s1;
	s2 =	sand.u32 $0x180, s2  }
0x7: {  	s11 =	simm.s32 $0x1000;
	s5 =	sand.u32 $0x380, s4;
	s6 =	ssub.s32 $0x200, s2  }
0x8: {  	p0 =	sne.s32 s5, $0x0;
	s5 =	simm.s32 $0x1;
	s9 =	sand.u32 $0x180, s6  }
0x9: {  	s5 =	simm.s32 @!p0 $0x0;
	p0 =	sne.s32 s9, $0x0;
	s9 =	simm.s32 $0x1  }
0xa: {  	s10 =	sshrl.u32 s4, $0xA;
	s6 =	sshrl.u32 s6, $0x9;
	s9 =	simm.s32 @!p0 $0x0  }
0xb: {  	s12 =	simm.s32 $0x0;
	s10 =	sadd.s32 s5, s10;
	s6 =	sadd.s32 s9, s6  }
0xc: {  	s16 =	simm.s32 $0x0;
	s17 =	simm.s32 $0x0;
	s6 =	smul.u32 s6, s10  }
.Ltmp0:
0xd: {  	s13 =	simm.s32 $0x0;
	s15 =	simm.s32 $0x0;
	(pc) =	sbr.rel .LBB1_1-.Ltmp0, $4  }
0xe: {  	s31 =	sshll.u32 s7, $0x7;
	s7 =	sadd.s32 $0x800, s8;
	s4 =	rddreg [dreg:$0x2]  }
0xf: {  	_ =	strace $0x8000004A;
	s5 =	simm.s32 $0x1;
	s6 =	smul.u32 $0x4D, s6  }
0x10: {  	s14 =	smov.u32 s1;
	s8 =	sand.u32 $0xC00, s31;
	[sflag:s5] =	ssyncpa.u1 $0x0  }
0x11: {  	[sflag:s30] =	ssyncpa.u1 $0x0;
	s10 =	simm.s32 $0x400;
	s9 =	sadd.s32 $0x1, s6  }
.LBB1_4:
0x12: {  	_ =	sdelay $0x3  }
0x13: {  	[tilespmem:v0+s21+$0xFFFFFFD0 ss:$0x1] =	vst.idx.msk $0xffff, v6  }
0x14: {  	v56 =	vld.idx.msk [tilespmem:v1+s20+$0x0 ss:$0x1], $0xffff;
	[tilespmem:v0+s21+$0xFFFFFFE0 ss:$0x1] =	vst.idx.msk $0xffff, v4  }
0x15: {  	v57 =	vld.idx.msk [tilespmem:v1+s20+$0xFFFFFF90 ss:$0x1], $0xffff;
	[tilespmem:v0+s21+$0xFFFFFFF0 ss:$0x1] =	vst.idx.msk $0xffff, v2  }
0x16: {  	v58 =	vld.idx.msk [tilespmem:v1+s20+$0xFFFFFFA0 ss:$0x1], $0xffff;
	[tilespmem:v0+s21+$0x0 ss:$0x1] =	vst.idx.msk $0xffff, v3  }
0x17: {  	v59 =	vld.idx.msk [tilespmem:v1+s20+$0xFFFFFFB0 ss:$0x1], $0xffff;
	[tilespmem:v0+s21+$0x10 ss:$0x1] =	vst.idx.msk $0xffff, v5  }
0x18: {  	v60 =	vld.idx.msk [tilespmem:v1+s20+$0xFFFFFFC0 ss:$0x1], $0xffff;
	[tilespmem:v0+s21+$0x20 ss:$0x1] =	vst.idx.msk $0xffff, v7  }
0x19: {  	v61 =	vld.idx.msk [tilespmem:v1+s20+$0xFFFFFFD0 ss:$0x1], $0xffff;
	[tilespmem:v0+s20+$0x30 ss:$0x1] =	vst.idx.msk $0xffff, v56  }
0x1a: {  	v62 =	vld.idx.msk [tilespmem:v1+s20+$0xFFFFFFE0 ss:$0x1], $0xffff;
	s29 =	sshll.u32 s17, $0x9;
	[tilespmem:v0+s20+$0xFFFFFFC0 ss:$0x1] =	vst.idx.msk $0xffff, v57  }
0x1b: {  	v63 =	vld.idx.msk [tilespmem:v1+s20+$0xFFFFFFF0 ss:$0x1], $0xffff;
	s18 =	sshll.u32 s18, $0x3;
	s22 =	sshll.u32 s17, $0x7;
	s21 =	sand.u32 $0x7F000, s29;
	[tilespmem:v0+s20+$0xFFFFFFD0 ss:$0x1] =	vst.idx.msk $0xffff, v58  }
0x1c: {  	s30 =	sand.u32 $0x200, s22;
	s18 =	sor.u32 s21, s18;
	[tilespmem:v0+s20+$0xFFFFFFE0 ss:$0x1] =	vst.idx.msk $0xffff, v59  }
0x1d: {  	s16 =	sshll.u32 s16, $0x10;
	s31 =	sshll.u32 s17, $0x4;
	s18 =	sor.u32 s30, s18;
	[tilespmem:v0+s20+$0xFFFFFFF0 ss:$0x1] =	vst.idx.msk $0xffff, v60  }
0x1e: {  	s17 =	sand.u32 $0x30, s31;
	s16 =	sadd.s32 s3, s16;
	s18 =	sshrl.u32 s18, $0x3;
	[tilespmem:v0+s20+$0x0 ss:$0x1] =	vst.idx.msk $0xffff, v61  }
0x1f: {  	s16 =	sadd.s32 s17, s16;
	[tilespmem:v0+s20+$0x10 ss:$0x1] =	vst.idx.msk $0xffff, v62;
	s18 =	sand.u32 $0xFFC0, s18  }
0x20: {  	[tilespmem:v0+s20+$0x20 ss:$0x1] =	vst.idx.msk $0xffff, v63;
	s16 =	sadd.s32 s18, s16  }
0x21: {  	[hbm4b:s16+s10] =	stream.strided.scatter [tilespmem:s19], [sflag:$0x2], $0x4000, s11, s10, $0x38;
	[tilespmem:$0x10000] =	vst v63  }
.LBB1_5:
0x22: {  	s19 =	sadd.s32 $0x1, s13  }
0x23: {  	s16 =	sadd.s32 $0x400, s14;
	s20 =	smov.u32 s14;
	p1 =	sgt.s32 s19, $0x4C  }
0x24: {  	s20 =	smov.u32 @p1 s16  }
0x25: {  	s19 =	simm.s32 @p1 $0x0;
	p1 =	sgt.s32 s20, $0x3FF  }
0x26: {  	s20 =	smov.u32 @p1 s1;
	p1 =	sne.s32 s15, s9  }
.Ltmp1:
0x27: {  	p0 =	slt.u32 s15, $0x2;
	(pc) =	sbr.rel @!p1 .LBB1_6-.Ltmp1, $4  }
0x28: {  	s17 =	smov.u32 s14;
	s18 =	simm.s32 @!p0 $0x2  }
0x29: {  	s12 =	sadd.s32 $0x4000, s12;
	_ =	swait.ge @!p0 [sflag:s18], $0x4000;
	s16 =	smov.u32 s13  }
0x2a: {  	[sflag:s18] =	ssyncset.done @!p0 $0x0;
	s13 =	smov.u32 s19;
	s15 =	sadd.s32 $0x1, s15  }
0x2b: {  	[sflag:s18] =	ssyncadd.s32 @!p0 $0xFFFFC000;
	s18 =	smov.u32 s2;
	s14 =	smov.u32 s20  }
.LBB1_1:
0x2c: {  	p0 =	sge.u32 s15, s6  }
0x2d: {  	s19 =	sshll.u32 @!p0 s13, $0x9  }
0x2e: {  	s20 =	sshll.u32 @!p0 s13, $0x7;
	s19 =	sand.u32 @!p0 $0xFFFFF000, s19  }
0x2f: {  	s20 =	sand.u32 @!p0 $0x200, s20;
	s19 =	sor.u32 @!p0 s8, s19  }
0x30: {  	s19 =	sor.u32 @!p0 s20, s19  }
0x31: {  	s19 =	sshrl.u32 @!p0 s19, $0x9  }
0x32: {  	s20 =	smulhi.u32 @!p0 $0x3333334, s19;
	_ =	sdelay $0x1  }
0x33: {  	s20 =	smul.u32 @!p0 $0x50, s20  }
0x34: {  	s31 =	sadd.s32 $0xFFFFFFFF, s15;
	s21 =	smul.u32 @!p0 $0x1400, s14  }
0x35: {  	s22 =	sxor.u32 @!p0 $0xFFFFFFFF, s15;
	s19 =	ssub.s32 @!p0 s19, s20;
	s20 =	sshll.u32 @!p0 s13, $0x4  }
0x36: {  	s22 =	sshll.u32 @!p0 s22, $0xE;
	s21 =	sadd.s32 @!p0 s7, s21;
	s20 =	sand.u32 @!p0 $0x30, s20  }
0x37: {  	s22 =	sand.u32 @!p0 $0x4000, s22;
	s19 =	sshll.u32 @!p0 s19, $0x6;
	s20 =	sadd.s32 @!p0 s20, s21  }
0x38: {  	s21 =	simm.s32 @!p0 $0xA000;
	s19 =	sadd.s32 @!p0 s19, s20;
	s20 =	simm.s32 @!p0 $0x80  }
0x39: {  	[tilespmem:s22], [sflag:$0x1] =	stream.strided.gather @!p0 [hbm4b:s19+s20], $0x4000, s21, s20, $0x38;
	[tilespmem:$0x10000] =	vst v63  }
0x3a: {  	p0 =	sge.u32 s31, s6  }
.Ltmp2:
0x3b: {  	_ = 	snop;
	(pc) =	sbr.rel @p0 .LBB1_5-.Ltmp2, $1  }
0x3c: {  	_ =	sdelay $0x3  }
0x3d: {  	s19 =	sand.u32 $0x4000, s12  }
0x3e: {  	s20 =	sor.u32 $0x70, s19  }
0x3f: {  	v1 =	vmov s20;
	_ =	sdelay $0x1  }
0x40: {  	_ =	swait.ge [sflag:s5], $0x4000  }
0x41: {  	[sflag:s5] =	ssyncset.done $0x0  }
0x42: {  	s21 =	simm.s32 $0x0;
	[sflag:s5] =	ssyncadd.s32 $0xFFFFC000  }
0x43: {  	s19 =	sor.u32 $0x8040, s19;
	v7 =	vld.idx.msk [tilespmem:v1+s21+$0x0 ss:$0x1], $0xffff  }
0x44: {  	v0 =	vmov s19;
	v8 =	vld.idx.msk [tilespmem:v1+s21+$0xFFFFFF90 ss:$0x1], $0xffff  }
0x45: {  	v6 =	vld.idx.msk [tilespmem:v1+s21+$0xFFFFFFA0 ss:$0x1], $0xffff  }
0x46: {  	v4 =	vld.idx.msk [tilespmem:v1+s21+$0xFFFFFFB0 ss:$0x1], $0xffff  }
0x47: {  	v2 =	vld.idx.msk [tilespmem:v1+s21+$0xFFFFFFC0 ss:$0x1], $0xffff  }
0x48: {  	s31 =	sshll.u32 s15, $0xE;
	v3 =	vld.idx.msk [tilespmem:v1+s21+$0xFFFFFFD0 ss:$0x1], $0xffff  }
0x49: {  	s19 =	sand.u32 $0x4000, s31;
	v5 =	vld.idx.msk [tilespmem:v1+s21+$0xFFFFFFE0 ss:$0x1], $0xffff;
	[tilespmem:v0+s21+$0x30 ss:$0x1] =	vst.idx.msk $0xffff, v7  }
0x4a: {  	s22 =	simm.s32 $0x400;
	s20 =	simm.s32 $0x80;
	s19 =	sor.u32 $0x8000, s19;
	[tilespmem:v0+s21+$0xFFFFFFC0 ss:$0x1] =	vst.idx.msk $0xffff, v8;
	v7 =	vld.idx.msk [tilespmem:v1+s21+$0xFFFFFFF0 ss:$0x1], $0xffff  }
.LBB1_3:
0x4b: {  	p0 =	sne.s32 s22, $0xFE00;
	v8 =	vld.idx.msk [tilespmem:v1+s20+$0x0 ss:$0x1], $0xffff;
	[tilespmem:v0+s21+$0xFFFFFFD0 ss:$0x1] =	vst.idx.msk $0xffff, v6  }
0x4c: {  	v9 =	vld.idx.msk [tilespmem:v1+s20+$0xFFFFFF90 ss:$0x1], $0xffff;
	[tilespmem:v0+s21+$0xFFFFFFE0 ss:$0x1] =	vst.idx.msk $0xffff, v4  }
0x4d: {  	v6 =	vld.idx.msk [tilespmem:v1+s20+$0xFFFFFFA0 ss:$0x1], $0xffff;
	[tilespmem:v0+s21+$0xFFFFFFF0 ss:$0x1] =	vst.idx.msk $0xffff, v2  }
.Ltmp3:
0x4e: {  	v4 =	vld.idx.msk [tilespmem:v1+s20+$0xFFFFFFB0 ss:$0x1], $0xffff;
	[tilespmem:v0+s21+$0x0 ss:$0x1] =	vst.idx.msk $0xffff, v3;
	(pc) =	sbr.rel @p0 .LBB1_3-.Ltmp3, $4  }
0x4f: {  	v2 =	vld.idx.msk [tilespmem:v1+s20+$0xFFFFFFC0 ss:$0x1], $0xffff;
	[tilespmem:v0+s21+$0x10 ss:$0x1] =	vst.idx.msk $0xffff, v5  }
0x50: {  	v3 =	vld.idx.msk [tilespmem:v1+s20+$0xFFFFFFD0 ss:$0x1], $0xffff;
	[tilespmem:v0+s21+$0x20 ss:$0x1] =	vst.idx.msk $0xffff, v7;
	s21 =	smov.u32 s20  }
0x51: {  	v5 =	vld.idx.msk [tilespmem:v1+s21+$0xFFFFFFE0 ss:$0x1], $0xffff;
	[tilespmem:v0+s21+$0x30 ss:$0x1] =	vst.idx.msk $0xffff, v8  }
0x52: {  	s20 =	sshra.s32 s22, $0x2;
	s22 =	sadd.s32 $0x200, s22;
	[tilespmem:v0+s21+$0xFFFFFFC0 ss:$0x1] =	vst.idx.msk $0xffff, v9;
	v7 =	vld.idx.msk [tilespmem:v1+s21+$0xFFFFFFF0 ss:$0x1], $0xffff  }
.Ltmp4:
0x53: {  	_ = 	snop;
	(pc) =	sbr.rel .LBB1_4-.Ltmp4, $1  }
0x54: {  	_ =	sdelay $0x3  }
.LBB1_6:
0x55: {  	_ =	sfence.sel $0x180000  }
0x56: {  	s1 =	simm.s32 $0x1;
	[bflag:$0x0] =	sbarrier.arrive $0xFFFF  }
0x57: {  	s31 =	simm.s32 $0x2;
	[sflag:s1] =	ssyncpa.u1 $0x1  }
0x58: {  	[sflag:s31] =	ssyncpa.u1 $0x1  }
0x59: {  	p0 =	sne.s32 s0, $0x0;
	_ =	strace $0x9000004A  }
0x5a: {  	s0 =	sadd.s32 @!p0 $0x100000, s4;
	[bflag:$0x2] =	sbarrier.arrive $0xFFFF  }
0x5b: {  	[sflag:s0] =	ssyncadd.tile.s32 @!p0 $0x1;
	_ =	shalt  }
.Lfunc_end1:
_tile_overlayer_lowered:
.L_overlay_start_2:
0x5c: {  	(tag) =	ssettag $0x2  }
0x5d: {  	s0 =	rddreg [dreg:$0x0];
	s2 =	stileid.u32  }
0x5e: {  	s1 =	rddreg [dreg:$0x1];
	p0 =	sne.s32 s2, $0x0  }
0x5f: {  	s3 =	rddreg [dreg:$0x2];
	[bflag:$0x3] =	sbarrier.arrive $0xFFFF;
	s2 =	simm.s32 @!p0 $0x1C01  }
0x60: {  	[timem:s3], [sflag:s2] =	dma.local @!p0 [hbm:s0], s1  }
0x61: {  	s0 =	simm.s32 @!p0 $0x1  }
0x62: {  	_ =	swait.ge @!p0 [sflag:s0], s1  }
0x63: {  	s1 =	ssub.s32 @!p0 $0x0, s1;
	[sflag:s0] =	ssyncset.done @!p0 $0x0  }
0x64: {  	[sflag:s0] =	ssyncadd.s32 @!p0 s1  }
0x65: {  	[bflag:$0x3] =	sbarrier.arrive $0xFFFF  }
0x66: {  	_ =	shalt  }

</sc_bundles>
